<compile_context>
chip_gen: v7x
topology: tpu7x:2x2x1
jax: 0.10.2.dev20260603
libtpu: 0.0.44.dev20260713+nightly
codegen_flags: <defaults>
</compile_context>

<pallas_src>
import dataclasses
import functools

import numpy as np
import jax
import jax.numpy as jnp
from jax import lax
from jax.experimental import pallas as pl
from jax.experimental.pallas import tpu as pltpu
from jax.experimental.pallas import tpu_sc as plsc

_BUCKET_SIZE = 0.301
_N = 200
_BB = 16
_BSC = 32
_SC_NC = 2
_SC_NS = 16
_SC_NW = _SC_NC * _SC_NS


def _build_bucket_tables():
    bs = np.float32(_BUCKET_SIZE)

    def bucket_f32(x32):
        return np.trunc(np.log(np.asarray(x32, np.float32)) / bs).astype(np.int32)

    base = np.zeros(32, np.int32)
    th = np.full((3, 32), 0x7FFFFFFF, np.int32)
    for e in range(31):
        base[e] = bucket_f32(np.float32(2.0 ** e))
        for k in range(1, 4):
            target = int(base[e]) + k
            m = np.exp(0.301 * target) / 2.0 ** e
            if m >= 2.0:
                continue
            mb0 = int(np.floor((m - 1.0) * 2 ** 23))
            lo, hi = max(mb0 - 64, 0), min(mb0 + 64, 2 ** 23 - 1)
            mbs = np.arange(lo, hi + 1, dtype=np.int64)
            vals = (((e + 127) << 23) | mbs).astype(np.int32).view(np.float32)
            idx = np.nonzero(bucket_f32(vals) >= target)[0]
            if len(idx):
                th[k - 1, e] = int(mbs[idx[0]])
    return base, th.reshape(-1)


_BASE_TBL, _TH_TBL = _build_bucket_tables()



def _pos_body(pos_ref, out_ref):
    n = _N
    i = jax.lax.broadcasted_iota(jnp.int32, (n, n), 0)
    j = jax.lax.broadcasted_iota(jnp.int32, (n, n), 1)
    p = (n - 1) + j - i
    hi = p >> 7
    lo = p & 127
    posv = jnp.zeros((n, n), jnp.float32)
    for c in range(4):
        chunk = jnp.broadcast_to(pos_ref[0:1, c * 128:(c + 1) * 128], (n, 128))
        g = jnp.take_along_axis(chunk, lo, axis=1, mode="promise_in_bounds")
        posv = jnp.where(hi == c, g, posv)
    out_ref[0] = posv


def _main_body(t_ref, s_ref, tsw_ref, pos_ref, out_ref):
    n = _N
    table = jnp.broadcast_to(tsw_ref[0:1, :], (n, 128))
    pos = pos_ref[0]
    for k in range(_BB):
        t = t_ref[k]
        s = s_ref[k]
        diff = s - t
        x = jnp.maximum(jnp.abs(diff.astype(jnp.float32)), 1.0)
        b = (jnp.log(x) / _BUCKET_SIZE).astype(jnp.int32)
        tb = jnp.take_along_axis(table, b, axis=1, mode="promise_in_bounds")
        out_ref[k] = tb + pos



_sc_mesh = plsc.VectorSubcoreMesh(core_axis_name="c", subcore_axis_name="s")

_sc_cp = pltpu.CompilerParams()
if "needs_layout_passes" in pltpu.CompilerParams.__dataclass_fields__:
    _sc_cp = dataclasses.replace(_sc_cp, needs_layout_passes=False)


@functools.partial(
    pl.kernel,
    out_type=jax.ShapeDtypeStruct((_BSC, _N * _N), jnp.float32),
    mesh=_sc_mesh,
    compiler_params=_sc_cp,
    cost_estimate=pl.CostEstimate(
        flops=_BSC * _N * _N * 25,
        bytes_accessed=_BSC * _N * _N * 4,
        transcendentals=0,
    ),
    scratch_types=[
        pltpu.VMEM((_N,), jnp.int32),
        pltpu.VMEM((136,), jnp.float32),
        pltpu.VMEM((408,), jnp.float32),
        pltpu.VMEM((32,), jnp.int32),
        pltpu.VMEM((96,), jnp.int32),
        pltpu.VMEM((_N * _N,), jnp.float32),
        pltpu.VMEM((_N * _N,), jnp.float32),
        pltpu.SemaphoreType.DMA,
        pltpu.SemaphoreType.DMA,
    ],
)
def _sc_kernel(t_hbm, tsw_hbm, pos_hbm, base_hbm, th_hbm, out_hbm,
               t_v, tsw_v, pos_v, base_v, th_v, ov0, ov1, sem0, sem1):
    wid = lax.axis_index("s") * _SC_NC + lax.axis_index("c")
    bpw = _BSC // _SC_NW
    pltpu.sync_copy(tsw_hbm, tsw_v)
    pltpu.sync_copy(pos_hbm, pos_v)
    pltpu.sync_copy(base_hbm, base_v)
    pltpu.sync_copy(th_hbm, th_v)
    iota = lax.iota(jnp.int32, 16)
    btc_base = t_hbm.shape[0] - _BSC
    bufs = (ov0, ov1)
    sems = (sem0, sem1)
    handles = [None, None]
    b0 = wid * bpw
    j0s = list(range(0, 192, 16)) + [184]

    for k in range(bpw):
        ov = bufs[k % 2]
        if handles[k % 2] is not None:
            handles[k % 2].wait()
        b = b0 + k
        pltpu.sync_copy(t_hbm.at[btc_base + b], t_v)

        def row_fn(i, carry, ov=ov):
            si = jnp.minimum(i + 1, _N - 1)
            sv = plsc.load_gather(t_v, [jnp.full((16,), si, jnp.int32)])
            pbase = (_N - 1) - i
            obase = i * _N
            for j0 in j0s:
                tv = plsc.load_gather(t_v, [j0 + iota])
                d = sv - tv
                x = jnp.maximum(jnp.abs(d), 1)
                bits = plsc.bitcast(x.astype(jnp.float32), jnp.int32)
                eb = (bits >> 23) - 127
                mb = bits & 0x7FFFFF
                bidx = plsc.load_gather(base_v, [eb])
                c1 = jnp.where(mb >= plsc.load_gather(th_v, [eb]), 1, 0)
                c2 = jnp.where(mb >= plsc.load_gather(th_v, [eb + 32]), 1, 0)
                c3 = jnp.where(mb >= plsc.load_gather(th_v, [eb + 64]), 1, 0)
                val = plsc.load_gather(tsw_v, [bidx + c1 + c2 + c3])
                pj = plsc.load_gather(pos_v, [(pbase + j0) + iota])
                plsc.store_scatter(ov, [(obase + j0) + iota], val + pj)
            return carry

        lax.fori_loop(0, _N, row_fn, 0)
        handles[k % 2] = pltpu.async_copy(ov, out_hbm.at[b], sems[k % 2])

    for h in handles:
        if h is not None:
            h.wait()



@jax.jit
def kernel(inputs, ts_w, pos_biases):
    bsz, n = inputs.shape
    btc = bsz - _BSC

    tsw_pad = jnp.zeros((1, 128), jnp.float32).at[0, :128].set(ts_w[:128])
    pos_pad = jnp.zeros((1, 512), jnp.float32).at[0, :2 * n - 1].set(pos_biases)

    pos_mat = pl.pallas_call(
        _pos_body,
        grid=(1,),
        in_specs=[pl.BlockSpec((1, 512), lambda g: (0, 0))],
        out_specs=pl.BlockSpec((1, n, n), lambda g: (0, 0, 0)),
        out_shape=jax.ShapeDtypeStruct((1, n, n), jnp.float32),
    )(pos_pad)

    t3 = inputs.reshape(bsz, 1, n)
    s3 = jnp.concatenate([inputs[:, 1:], inputs[:, n - 1:n]], axis=1)
    s3 = s3.reshape(bsz, n, 1)

    tsw1d = jnp.zeros((136,), jnp.float32).at[:129].set(ts_w)
    pos1d = jnp.zeros((408,), jnp.float32).at[:2 * n - 1].set(pos_biases)
    out_sc_flat = _sc_kernel(
        inputs, tsw1d, pos1d,
        jnp.asarray(_BASE_TBL), jnp.asarray(_TH_TBL),
    )
    out_sc = out_sc_flat.reshape(_BSC, n, n)

    out_tc = pl.pallas_call(
        _main_body,
        grid=(btc // _BB,),
        in_specs=[
            pl.BlockSpec((_BB, 1, n), lambda b: (b, 0, 0)),
            pl.BlockSpec((_BB, n, 1), lambda b: (b, 0, 0)),
            pl.BlockSpec((1, 128), lambda b: (0, 0)),
            pl.BlockSpec((1, n, n), lambda b: (0, 0, 0)),
        ],
        out_specs=pl.BlockSpec((_BB, n, n), lambda b: (b, 0, 0)),
        out_shape=jax.ShapeDtypeStruct((bsz, n, n), jnp.float32),
        compiler_params=pltpu.CompilerParams(
            dimension_semantics=("arbitrary",),
        ),
    )(t3, s3, tsw_pad, pos_mat)

    return lax.dynamic_update_slice(out_tc, out_sc, (btc, 0, 0))

# --- scband reference (transcript-rebuilt; emitter-appended) ---
"""Pipeline reference for scband-relative-bucketed-time-and-position-based-bias-81664508166288 (READ-ONLY COPY).

The authoritative reference and input builder live on the scoring server;
editing this copy changes nothing except your own understanding.
"""

import jax, jax.numpy as jnp
import numpy as np

NUM_BUCKETS = 128
BUCKET_SIZE = 0.301
B, N = 1024, 200

def setup_inputs(seed: int = 0) -> dict:
    key = jax.random.key(seed)
    k1, k2, k3 = jax.random.split(key, 3)
    inputs = jax.random.randint(k1, (B, N), 0, 1000000000, dtype=jnp.int64)
    ts_w = jax.random.normal(k2, (NUM_BUCKETS + 1,), dtype=jnp.float32) * 0.02
    pos_biases = jax.random.normal(k3, (2 * N - 1,), dtype=jnp.float32) * 0.02
    return {"inputs": inputs, "ts_w": ts_w, "pos_biases": pos_biases}

def _positional_bias(pos_biases, n):
    tiled = jnp.tile(jnp.pad(pos_biases[: 2 * n - 1], (0, n)), n)
    full = tiled[: -n].reshape(1, n, 3 * n - 2)
    excess = (2 * n - 1) // 2
    return full[:, :, excess:-excess]

def _time_bias(inputs, ts_w, num_buckets):
    b_size, n = inputs.shape
    ext = jnp.concatenate([inputs, inputs[:, n - 1 : n]], axis=1)
    diff = ext[:, 1:][:, :, None] - ext[:, :-1][:, None, :]
    clipped = jnp.clip(jnp.abs(diff), 1, 1000000000).astype(jnp.float32)
    bucket_vals = (jnp.log(clipped) / BUCKET_SIZE).astype(jnp.int64)
    bucketed = jnp.clip(bucket_vals, 0, num_buckets).astype(jnp.int32)
    flat = bucketed.reshape(-1)
    rel_ts_bias = jnp.take(ts_w, flat, axis=0)
    return rel_ts_bias.reshape(b_size, n, n)

def reference(inputs, ts_w, pos_biases):
    n = inputs.shape[-1]
    pos = _positional_bias(pos_biases, n)
    tb = _time_bias(inputs, ts_w, NUM_BUCKETS)
    return pos + tb

if __name__ == "__main__":
    import jax
    _d = setup_inputs()
    print(jax.jit(kernel)(*tuple(_d.values())))

</pallas_src>

<mosaic_0001>
#map = affine_map<(d0, d1) -> (0, 0)>
#map1 = affine_map<(d0, d1) -> (0)>
module attributes {stable_mosaic.version = 14 : i64} {
  func.func @_sc_kernel(%arg0: i32, %arg1: i32, %arg2: memref<1024x200xi32, #tpu.memory_space<hbm>>, %arg3: memref<136xf32, #tpu.memory_space<hbm>>, %arg4: memref<408xf32, #tpu.memory_space<hbm>>, %arg5: memref<32xi32, #tpu.memory_space<hbm>>, %arg6: memref<96xi32, #tpu.memory_space<hbm>>, %arg7: memref<32x40000xf32, #tpu.memory_space<hbm>>, %arg8: memref<200xi32, #tpu.memory_space<vmem>>, %arg9: memref<136xf32, #tpu.memory_space<vmem>>, %arg10: memref<408xf32, #tpu.memory_space<vmem>>, %arg11: memref<32xi32, #tpu.memory_space<vmem>>, %arg12: memref<96xi32, #tpu.memory_space<vmem>>, %arg13: memref<40000xf32, #tpu.memory_space<vmem>>, %arg14: memref<40000xf32, #tpu.memory_space<vmem>>, %arg15: memref<!tpu.dma_semaphore, #tpu.memory_space<semaphore_mem>>, %arg16: memref<!tpu.dma_semaphore, #tpu.memory_space<semaphore_mem>>) attributes {dimension_semantics = [#tpu.dimension_semantics<core_parallel>, #tpu.dimension_semantics<subcore_parallel>], iteration_bounds = array<i64: 2, 16>, scalar_prefetch = 0 : i64, scratch_operands = 9 : i64, tpu.core_type = #tpu.core_type<sc_vector_subcore>, window_params = [{transform_indices = #map}, {transform_indices = #map1}, {transform_indices = #map1}, {transform_indices = #map1}, {transform_indices = #map1}, {transform_indices = #map}]} {
    %mul3A = arith.constant 2 : i32
    %mul3A_0 = arith.muli %arg1, %mul3A : i32
    %add3A = arith.addi %mul3A_0, %arg0 : i32
    "tpu.region"() ({
      %run_scoped3A = tpu.sem_alloc : memref<!tpu.dma_semaphore, #tpu.memory_space<semaphore_mem>>
      tpu.enqueue_dma source(%arg3 : memref<136xf32, #tpu.memory_space<hbm>>) target(%arg9 : memref<136xf32, #tpu.memory_space<vmem>>) target_semaphore(%run_scoped3A : memref<!tpu.dma_semaphore, #tpu.memory_space<semaphore_mem>>)
      tpu.wait_dma2 semaphore(%run_scoped3A : memref<!tpu.dma_semaphore, #tpu.memory_space<semaphore_mem>>) src(%arg3 : memref<136xf32, #tpu.memory_space<hbm>>) dst(%arg9 : memref<136xf32, #tpu.memory_space<vmem>>)
      tpu.yield
    }) : () -> ()
    "tpu.region"() ({
      %run_scoped3A = tpu.sem_alloc : memref<!tpu.dma_semaphore, #tpu.memory_space<semaphore_mem>>
      tpu.enqueue_dma source(%arg4 : memref<408xf32, #tpu.memory_space<hbm>>) target(%arg10 : memref<408xf32, #tpu.memory_space<vmem>>) target_semaphore(%run_scoped3A : memref<!tpu.dma_semaphore, #tpu.memory_space<semaphore_mem>>)
      tpu.wait_dma2 semaphore(%run_scoped3A : memref<!tpu.dma_semaphore, #tpu.memory_space<semaphore_mem>>) src(%arg4 : memref<408xf32, #tpu.memory_space<hbm>>) dst(%arg10 : memref<408xf32, #tpu.memory_space<vmem>>)
      tpu.yield
    }) : () -> ()
    "tpu.region"() ({
      %run_scoped3A = tpu.sem_alloc : memref<!tpu.dma_semaphore, #tpu.memory_space<semaphore_mem>>
      tpu.enqueue_dma source(%arg5 : memref<32xi32, #tpu.memory_space<hbm>>) target(%arg11 : memref<32xi32, #tpu.memory_space<vmem>>) target_semaphore(%run_scoped3A : memref<!tpu.dma_semaphore, #tpu.memory_space<semaphore_mem>>)
      tpu.wait_dma2 semaphore(%run_scoped3A : memref<!tpu.dma_semaphore, #tpu.memory_space<semaphore_mem>>) src(%arg5 : memref<32xi32, #tpu.memory_space<hbm>>) dst(%arg11 : memref<32xi32, #tpu.memory_space<vmem>>)
      tpu.yield
    }) : () -> ()
    "tpu.region"() ({
      %run_scoped3A = tpu.sem_alloc : memref<!tpu.dma_semaphore, #tpu.memory_space<semaphore_mem>>
      tpu.enqueue_dma source(%arg6 : memref<96xi32, #tpu.memory_space<hbm>>) target(%arg12 : memref<96xi32, #tpu.memory_space<vmem>>) target_semaphore(%run_scoped3A : memref<!tpu.dma_semaphore, #tpu.memory_space<semaphore_mem>>)
      tpu.wait_dma2 semaphore(%run_scoped3A : memref<!tpu.dma_semaphore, #tpu.memory_space<semaphore_mem>>) src(%arg6 : memref<96xi32, #tpu.memory_space<hbm>>) dst(%arg12 : memref<96xi32, #tpu.memory_space<vmem>>)
      tpu.yield
    }) : () -> ()
    %iota3A = tpu.iota {dimensions = array<i32: 0>} : vector<16xi32>
    %mul3A_1 = arith.constant 1 : i32
    %mul3A_2 = arith.muli %add3A, %mul3A_1 : i32
    %add3A_3 = arith.constant 0 : i32
    %add3A_4 = arith.addi %mul3A_2, %add3A_3 : i32
    %add3A_5 = arith.constant 992 : i32
    %add3A_6 = arith.addi %add3A_5, %add3A_4 : i32
    "tpu.region"() ({
      %run_scoped3A = tpu.sem_alloc : memref<!tpu.dma_semaphore, #tpu.memory_space<semaphore_mem>>
      %dma_start3A_22 = arith.constant 0 : i32
      %dma_start3A_23 = tpu.memref_slice %arg2[%add3A_6, %dma_start3A_22] : memref<1024x200xi32, #tpu.memory_space<hbm>> -> memref<1x200xi32, #tpu.memory_space<hbm>>
      %dma_start3A_24 = tpu.memref_squeeze %dma_start3A_23 : memref<1x200xi32, #tpu.memory_space<hbm>> -> memref<200xi32, #tpu.memory_space<hbm>>
      %dma_start3A_25 = arith.constant 0 : i32
      %dma_start3A_26 = tpu.memref_slice %arg2[%add3A_6, %dma_start3A_25] : memref<1024x200xi32, #tpu.memory_space<hbm>> -> memref<1x200xi32, #tpu.memory_space<hbm>>
      %dma_start3A_27 = tpu.memref_squeeze %dma_start3A_26 : memref<1x200xi32, #tpu.memory_space<hbm>> -> memref<200xi32, #tpu.memory_space<hbm>>
      tpu.enqueue_dma source(%dma_start3A_27 : memref<200xi32, #tpu.memory_space<hbm>>) target(%arg8 : memref<200xi32, #tpu.memory_space<vmem>>) target_semaphore(%run_scoped3A : memref<!tpu.dma_semaphore, #tpu.memory_space<semaphore_mem>>)
      %dma_wait3A_28 = arith.constant 0 : i32
      %dma_wait3A_29 = tpu.memref_slice %arg2[%add3A_6, %dma_wait3A_28] : memref<1024x200xi32, #tpu.memory_space<hbm>> -> memref<1x200xi32, #tpu.memory_space<hbm>>
      %dma_wait3A_30 = tpu.memref_squeeze %dma_wait3A_29 : memref<1x200xi32, #tpu.memory_space<hbm>> -> memref<200xi32, #tpu.memory_space<hbm>>
      %dma_wait3A_31 = arith.constant 0 : i32
      %dma_wait3A_32 = tpu.memref_slice %arg2[%add3A_6, %dma_wait3A_31] : memref<1024x200xi32, #tpu.memory_space<hbm>> -> memref<1x200xi32, #tpu.memory_space<hbm>>
      %dma_wait3A_33 = tpu.memref_squeeze %dma_wait3A_32 : memref<1x200xi32, #tpu.memory_space<hbm>> -> memref<200xi32, #tpu.memory_space<hbm>>
      tpu.wait_dma2 semaphore(%run_scoped3A : memref<!tpu.dma_semaphore, #tpu.memory_space<semaphore_mem>>) src(%dma_wait3A_33 : memref<200xi32, #tpu.memory_space<hbm>>) dst(%arg8 : memref<200xi32, #tpu.memory_space<vmem>>)
      tpu.yield
    }) : () -> ()
    %scan3A = arith.constant 0 : i32
    %scan3A_7 = arith.constant 0 : i32
    %scan3A_8 = arith.constant 200 : i32
    %scan3A_9 = arith.addi %scan3A_7, %scan3A_8 : i32
    %scan3A_10 = arith.constant 1 : i32
    scf.for %scan3A_22 = %scan3A_7 to %scan3A_9 step %scan3A_10  : i32 {
      %add3A_23 = arith.constant 1 : i32
      %add3A_24 = arith.addi %scan3A_22, %add3A_23 : i32
      %min3A = arith.constant 199 : i32
      %min3A_25 = arith.minsi %add3A_24, %min3A : i32
      %broadcast_in_dim3A = vector.broadcast %min3A_25 : i32 to vector<16xi32>
      %gather3A = tpu.vector_load_idx %arg8[%broadcast_in_dim3A] : memref<200xi32, #tpu.memory_space<vmem>>[vector<16xi32>], vector<16xi32>,
      %sub3A = arith.constant 199 : i32
      %sub3A_26 = arith.subi %sub3A, %scan3A_22 : i32
      %mul3A_27 = arith.constant 200 : i32
      %mul3A_28 = arith.muli %scan3A_22, %mul3A_27 : i32
      %add3A_29 = arith.constant 0 : i32
      %add3A_30 = vector.broadcast %add3A_29 : i32 to vector<16xi32>
      %add3A_31 = arith.addi %add3A_30, %iota3A : vector<16xi32>
      %gather3A_32 = tpu.vector_load_idx %arg8[%add3A_31] : memref<200xi32, #tpu.memory_space<vmem>>[vector<16xi32>], vector<16xi32>,
      %sub3A_33 = arith.subi %gather3A, %gather3A_32 : vector<16xi32>
      %abs3A = math.absi %sub3A_33 : vector<16xi32>
      %max3A = arith.constant 1 : i32
      %max3A_34 = vector.broadcast %max3A : i32 to vector<16xi32>
      %max3A_35 = arith.maxsi %abs3A, %max3A_34 : vector<16xi32>
      %convert_element_type3A = arith.sitofp %max3A_35 : vector<16xi32> to vector<16xf32>
      %bitcast3A = vector.bitcast %convert_element_type3A : vector<16xf32> to vector<16xi32>
      %shift_right_arithmetic3A = arith.constant 23 : i32
      %shift_right_arithmetic3A_36 = vector.broadcast %shift_right_arithmetic3A : i32 to vector<16xi32>
      %shift_right_arithmetic3A_37 = arith.shrsi %bitcast3A, %shift_right_arithmetic3A_36 : vector<16xi32>
      %sub3A_38 = arith.constant 127 : i32
      %sub3A_39 = vector.broadcast %sub3A_38 : i32 to vector<16xi32>
      %sub3A_40 = arith.subi %shift_right_arithmetic3A_37, %sub3A_39 : vector<16xi32>
      %and3A = arith.constant 8388607 : i32
      %and3A_41 = vector.broadcast %and3A : i32 to vector<16xi32>
      %and3A_42 = arith.andi %bitcast3A, %and3A_41 : vector<16xi32>
      %gather3A_43 = tpu.vector_load_idx %arg11[%sub3A_40] : memref<32xi32, #tpu.memory_space<vmem>>[vector<16xi32>], vector<16xi32>,
      %gather3A_44 = tpu.vector_load_idx %arg12[%sub3A_40] : memref<96xi32, #tpu.memory_space<vmem>>[vector<16xi32>], vector<16xi32>,
      %ge3A = arith.cmpi sge, %and3A_42, %gather3A_44 : vector<16xi32>
      %jit3A = arith.constant 1 : i32
      %jit3A_45 = arith.constant 0 : i32
      %broadcast_in_dim3A_46 = vector.broadcast %jit3A : i32 to vector<16xi32>
      %broadcast_in_dim3A_47 = vector.broadcast %jit3A_45 : i32 to vector<16xi32>
      %select_n3A = arith.select %ge3A, %broadcast_in_dim3A_46, %broadcast_in_dim3A_47 : vector<16xi1>, vector<16xi32>
      %add3A_48 = arith.constant 32 : i32
      %add3A_49 = vector.broadcast %add3A_48 : i32 to vector<16xi32>
      %add3A_50 = arith.addi %sub3A_40, %add3A_49 : vector<16xi32>
      %gather3A_51 = tpu.vector_load_idx %arg12[%add3A_50] : memref<96xi32, #tpu.memory_space<vmem>>[vector<16xi32>], vector<16xi32>,
      %ge3A_52 = arith.cmpi sge, %and3A_42, %gather3A_51 : vector<16xi32>
      %jit3A_53 = arith.constant 1 : i32
      %jit3A_54 = arith.constant 0 : i32
      %broadcast_in_dim3A_55 = vector.broadcast %jit3A_53 : i32 to vector<16xi32>
      %broadcast_in_dim3A_56 = vector.broadcast %jit3A_54 : i32 to vector<16xi32>
      %select_n3A_57 = arith.select %ge3A_52, %broadcast_in_dim3A_55, %broadcast_in_dim3A_56 : vector<16xi1>, vector<16xi32>
      %add3A_58 = arith.constant 64 : i32
      %add3A_59 = vector.broadcast %add3A_58 : i32 to vector<16xi32>
      %add3A_60 = arith.addi %sub3A_40, %add3A_59 : vector<16xi32>
      %gather3A_61 = tpu.vector_load_idx %arg12[%add3A_60] : memref<96xi32, #tpu.memory_space<vmem>>[vector<16xi32>], vector<16xi32>,
      %ge3A_62 = arith.cmpi sge, %and3A_42, %gather3A_61 : vector<16xi32>
      %jit3A_63 = arith.constant 1 : i32
      %jit3A_64 = arith.constant 0 : i32
      %broadcast_in_dim3A_65 = vector.broadcast %jit3A_63 : i32 to vector<16xi32>
      %broadcast_in_dim3A_66 = vector.broadcast %jit3A_64 : i32 to vector<16xi32>
      %select_n3A_67 = arith.select %ge3A_62, %broadcast_in_dim3A_65, %broadcast_in_dim3A_66 : vector<16xi1>, vector<16xi32>
      %add3A_68 = arith.addi %gather3A_43, %select_n3A : vector<16xi32>
      %add3A_69 = arith.addi %add3A_68, %select_n3A_57 : vector<16xi32>
      %add3A_70 = arith.addi %add3A_69, %select_n3A_67 : vector<16xi32>
      %gather3A_71 = tpu.vector_load_idx %arg9[%add3A_70] : memref<136xf32, #tpu.memory_space<vmem>>[vector<16xi32>], vector<16xf32>,
      %add3A_72 = arith.constant 0 : i32
      %add3A_73 = arith.addi %sub3A_26, %add3A_72 : i32
      %add3A_74 = vector.broadcast %add3A_73 : i32 to vector<16xi32>
      %add3A_75 = arith.addi %add3A_74, %iota3A : vector<16xi32>
      %gather3A_76 = tpu.vector_load_idx %arg10[%add3A_75] : memref<408xf32, #tpu.memory_space<vmem>>[vector<16xi32>], vector<16xf32>,
      %add3A_77 = arith.constant 0 : i32
      %add3A_78 = arith.addi %mul3A_28, %add3A_77 : i32
      %add3A_79 = vector.broadcast %add3A_78 : i32 to vector<16xi32>
      %add3A_80 = arith.addi %add3A_79, %iota3A : vector<16xi32>
      %add3A_81 = arith.addf %gather3A_71, %gather3A_76 : vector<16xf32>
      tpu.vector_store_idx %arg13[%add3A_80], %add3A_81 : memref<40000xf32, #tpu.memory_space<vmem>>[vector<16xi32>], vector<16xf32>,
      %add3A_82 = arith.constant 16 : i32
      %add3A_83 = vector.broadcast %add3A_82 : i32 to vector<16xi32>
      %add3A_84 = arith.addi %add3A_83, %iota3A : vector<16xi32>
      %gather3A_85 = tpu.vector_load_idx %arg8[%add3A_84] : memref<200xi32, #tpu.memory_space<vmem>>[vector<16xi32>], vector<16xi32>,
      %sub3A_86 = arith.subi %gather3A, %gather3A_85 : vector<16xi32>
      %abs3A_87 = math.absi %sub3A_86 : vector<16xi32>
      %max3A_88 = arith.constant 1 : i32
      %max3A_89 = vector.broadcast %max3A_88 : i32 to vector<16xi32>
      %max3A_90 = arith.maxsi %abs3A_87, %max3A_89 : vector<16xi32>
      %convert_element_type3A_91 = arith.sitofp %max3A_90 : vector<16xi32> to vector<16xf32>
      %bitcast3A_92 = vector.bitcast %convert_element_type3A_91 : vector<16xf32> to vector<16xi32>
      %shift_right_arithmetic3A_93 = arith.constant 23 : i32
      %shift_right_arithmetic3A_94 = vector.broadcast %shift_right_arithmetic3A_93 : i32 to vector<16xi32>
      %shift_right_arithmetic3A_95 = arith.shrsi %bitcast3A_92, %shift_right_arithmetic3A_94 : vector<16xi32>
      %sub3A_96 = arith.constant 127 : i32
      %sub3A_97 = vector.broadcast %sub3A_96 : i32 to vector<16xi32>
      %sub3A_98 = arith.subi %shift_right_arithmetic3A_95, %sub3A_97 : vector<16xi32>
      %and3A_99 = arith.constant 8388607 : i32
      %and3A_100 = vector.broadcast %and3A_99 : i32 to vector<16xi32>
      %and3A_101 = arith.andi %bitcast3A_92, %and3A_100 : vector<16xi32>
      %gather3A_102 = tpu.vector_load_idx %arg11[%sub3A_98] : memref<32xi32, #tpu.memory_space<vmem>>[vector<16xi32>], vector<16xi32>,
      %gather3A_103 = tpu.vector_load_idx %arg12[%sub3A_98] : memref<96xi32, #tpu.memory_space<vmem>>[vector<16xi32>], vector<16xi32>,
      %ge3A_104 = arith.cmpi sge, %and3A_101, %gather3A_103 : vector<16xi32>
      %jit3A_105 = arith.constant 1 : i32
      %jit3A_106 = arith.constant 0 : i32
      %broadcast_in_dim3A_107 = vector.broadcast %jit3A_105 : i32 to vector<16xi32>
      %broadcast_in_dim3A_108 = vector.broadcast %jit3A_106 : i32 to vector<16xi32>
      %select_n3A_109 = arith.select %ge3A_104, %broadcast_in_dim3A_107, %broadcast_in_dim3A_108 : vector<16xi1>, vector<16xi32>
      %add3A_110 = arith.constant 32 : i32
      %add3A_111 = vector.broadcast %add3A_110 : i32 to vector<16xi32>
      %add3A_112 = arith.addi %sub3A_98, %add3A_111 : vector<16xi32>
      %gather3A_113 = tpu.vector_load_idx %arg12[%add3A_112] : memref<96xi32, #tpu.memory_space<vmem>>[vector<16xi32>], vector<16xi32>,
      %ge3A_114 = arith.cmpi sge, %and3A_101, %gather3A_113 : vector<16xi32>
      %jit3A_115 = arith.constant 1 : i32
      %jit3A_116 = arith.constant 0 : i32
      %broadcast_in_dim3A_117 = vector.broadcast %jit3A_115 : i32 to vector<16xi32>
      %broadcast_in_dim3A_118 = vector.broadcast %jit3A_116 : i32 to vector<16xi32>
      %select_n3A_119 = arith.select %ge3A_114, %broadcast_in_dim3A_117, %broadcast_in_dim3A_118 : vector<16xi1>, vector<16xi32>
      %add3A_120 = arith.constant 64 : i32
      %add3A_121 = vector.broadcast %add3A_120 : i32 to vector<16xi32>
      %add3A_122 = arith.addi %sub3A_98, %add3A_121 : vector<16xi32>
      %gather3A_123 = tpu.vector_load_idx %arg12[%add3A_122] : memref<96xi32, #tpu.memory_space<vmem>>[vector<16xi32>], vector<16xi32>,
      %ge3A_124 = arith.cmpi sge, %and3A_101, %gather3A_123 : vector<16xi32>
      %jit3A_125 = arith.constant 1 : i32
      %jit3A_126 = arith.constant 0 : i32
      %broadcast_in_dim3A_127 = vector.broadcast %jit3A_125 : i32 to vector<16xi32>
      %broadcast_in_dim3A_128 = vector.broadcast %jit3A_126 : i32 to vector<16xi32>
      %select_n3A_129 = arith.select %ge3A_124, %broadcast_in_dim3A_127, %broadcast_in_dim3A_128 : vector<16xi1>, vector<16xi32>
      %add3A_130 = arith.addi %gather3A_102, %select_n3A_109 : vector<16xi32>
      %add3A_131 = arith.addi %add3A_130, %select_n3A_119 : vector<16xi32>
      %add3A_132 = arith.addi %add3A_131, %select_n3A_129 : vector<16xi32>
      %gather3A_133 = tpu.vector_load_idx %arg9[%add3A_132] : memref<136xf32, #tpu.memory_space<vmem>>[vector<16xi32>], vector<16xf32>,
      %add3A_134 = arith.constant 16 : i32
      %add3A_135 = arith.addi %sub3A_26, %add3A_134 : i32
      %add3A_136 = vector.broadcast %add3A_135 : i32 to vector<16xi32>
      %add3A_137 = arith.addi %add3A_136, %iota3A : vector<16xi32>
      %gather3A_138 = tpu.vector_load_idx %arg10[%add3A_137] : memref<408xf32, #tpu.memory_space<vmem>>[vector<16xi32>], vector<16xf32>,
      %add3A_139 = arith.constant 16 : i32
      %add3A_140 = arith.addi %mul3A_28, %add3A_139 : i32
      %add3A_141 = vector.broadcast %add3A_140 : i32 to vector<16xi32>
      %add3A_142 = arith.addi %add3A_141, %iota3A : vector<16xi32>
      %add3A_143 = arith.addf %gather3A_133, %gather3A_138 : vector<16xf32>
      tpu.vector_store_idx %arg13[%add3A_142], %add3A_143 : memref<40000xf32, #tpu.memory_space<vmem>>[vector<16xi32>], vector<16xf32>,
      %add3A_144 = arith.constant 32 : i32
      %add3A_145 = vector.broadcast %add3A_144 : i32 to vector<16xi32>
      %add3A_146 = arith.addi %add3A_145, %iota3A : vector<16xi32>
      %gather3A_147 = tpu.vector_load_idx %arg8[%add3A_146] : memref<200xi32, #tpu.memory_space<vmem>>[vector<16xi32>], vector<16xi32>,
      %sub3A_148 = arith.subi %gather3A, %gather3A_147 : vector<16xi32>
      %abs3A_149 = math.absi %sub3A_148 : vector<16xi32>
      %max3A_150 = arith.constant 1 : i32
      %max3A_151 = vector.broadcast %max3A_150 : i32 to vector<16xi32>
      %max3A_152 = arith.maxsi %abs3A_149, %max3A_151 : vector<16xi32>
      %convert_element_type3A_153 = arith.sitofp %max3A_152 : vector<16xi32> to vector<16xf32>
      %bitcast3A_154 = vector.bitcast %convert_element_type3A_153 : vector<16xf32> to vector<16xi32>
      %shift_right_arithmetic3A_155 = arith.constant 23 : i32
      %shift_right_arithmetic3A_156 = vector.broadcast %shift_right_arithmetic3A_155 : i32 to vector<16xi32>
      %shift_right_arithmetic3A_157 = arith.shrsi %bitcast3A_154, %shift_right_arithmetic3A_156 : vector<16xi32>
      %sub3A_158 = arith.constant 127 : i32
      %sub3A_159 = vector.broadcast %sub3A_158 : i32 to vector<16xi32>
      %sub3A_160 = arith.subi %shift_right_arithmetic3A_157, %sub3A_159 : vector<16xi32>
      %and3A_161 = arith.constant 8388607 : i32
      %and3A_162 = vector.broadcast %and3A_161 : i32 to vector<16xi32>
      %and3A_163 = arith.andi %bitcast3A_154, %and3A_162 : vector<16xi32>
      %gather3A_164 = tpu.vector_load_idx %arg11[%sub3A_160] : memref<32xi32, #tpu.memory_space<vmem>>[vector<16xi32>], vector<16xi32>,
      %gather3A_165 = tpu.vector_load_idx %arg12[%sub3A_160] : memref<96xi32, #tpu.memory_space<vmem>>[vector<16xi32>], vector<16xi32>,
      %ge3A_166 = arith.cmpi sge, %and3A_163, %gather3A_165 : vector<16xi32>
      %jit3A_167 = arith.constant 1 : i32
      %jit3A_168 = arith.constant 0 : i32
      %broadcast_in_dim3A_169 = vector.broadcast %jit3A_167 : i32 to vector<16xi32>
      %broadcast_in_dim3A_170 = vector.broadcast %jit3A_168 : i32 to vector<16xi32>
      %select_n3A_171 = arith.select %ge3A_166, %broadcast_in_dim3A_169, %broadcast_in_dim3A_170 : vector<16xi1>, vector<16xi32>
      %add3A_172 = arith.constant 32 : i32
      %add3A_173 = vector.broadcast %add3A_172 : i32 to vector<16xi32>
      %add3A_174 = arith.addi %sub3A_160, %add3A_173 : vector<16xi32>
      %gather3A_175 = tpu.vector_load_idx %arg12[%add3A_174] : memref<96xi32, #tpu.memory_space<vmem>>[vector<16xi32>], vector<16xi32>,
      %ge3A_176 = arith.cmpi sge, %and3A_163, %gather3A_175 : vector<16xi32>
      %jit3A_177 = arith.constant 1 : i32
      %jit3A_178 = arith.constant 0 : i32
      %broadcast_in_dim3A_179 = vector.broadcast %jit3A_177 : i32 to vector<16xi32>
      %broadcast_in_dim3A_180 = vector.broadcast %jit3A_178 : i32 to vector<16xi32>
      %select_n3A_181 = arith.select %ge3A_176, %broadcast_in_dim3A_179, %broadcast_in_dim3A_180 : vector<16xi1>, vector<16xi32>
      %add3A_182 = arith.constant 64 : i32
      %add3A_183 = vector.broadcast %add3A_182 : i32 to vector<16xi32>
      %add3A_184 = arith.addi %sub3A_160, %add3A_183 : vector<16xi32>
      %gather3A_185 = tpu.vector_load_idx %arg12[%add3A_184] : memref<96xi32, #tpu.memory_space<vmem>>[vector<16xi32>], vector<16xi32>,
      %ge3A_186 = arith.cmpi sge, %and3A_163, %gather3A_185 : vector<16xi32>
      %jit3A_187 = arith.constant 1 : i32
      %jit3A_188 = arith.constant 0 : i32
      %broadcast_in_dim3A_189 = vector.broadcast %jit3A_187 : i32 to vector<16xi32>
      %broadcast_in_dim3A_190 = vector.broadcast %jit3A_188 : i32 to vector<16xi32>
      %select_n3A_191 = arith.select %ge3A_186, %broadcast_in_dim3A_189, %broadcast_in_dim3A_190 : vector<16xi1>, vector<16xi32>
      %add3A_192 = arith.addi %gather3A_164, %select_n3A_171 : vector<16xi32>
      %add3A_193 = arith.addi %add3A_192, %select_n3A_181 : vector<16xi32>
      %add3A_194 = arith.addi %add3A_193, %select_n3A_191 : vector<16xi32>
      %gather3A_195 = tpu.vector_load_idx %arg9[%add3A_194] : memref<136xf32, #tpu.memory_space<vmem>>[vector<16xi32>], vector<16xf32>,
      %add3A_196 = arith.constant 32 : i32
      %add3A_197 = arith.addi %sub3A_26, %add3A_196 : i32
      %add3A_198 = vector.broadcast %add3A_197 : i32 to vector<16xi32>
      %add3A_199 = arith.addi %add3A_198, %iota3A : vector<16xi32>
      %gather3A_200 = tpu.vector_load_idx %arg10[%add3A_199] : memref<408xf32, #tpu.memory_space<vmem>>[vector<16xi32>], vector<16xf32>,
      %add3A_201 = arith.constant 32 : i32
      %add3A_202 = arith.addi %mul3A_28, %add3A_201 : i32
      %add3A_203 = vector.broadcast %add3A_202 : i32 to vector<16xi32>
      %add3A_204 = arith.addi %add3A_203, %iota3A : vector<16xi32>
      %add3A_205 = arith.addf %gather3A_195, %gather3A_200 : vector<16xf32>
      tpu.vector_store_idx %arg13[%add3A_204], %add3A_205 : memref<40000xf32, #tpu.memory_space<vmem>>[vector<16xi32>], vector<16xf32>,
      %add3A_206 = arith.constant 48 : i32
      %add3A_207 = vector.broadcast %add3A_206 : i32 to vector<16xi32>
      %add3A_208 = arith.addi %add3A_207, %iota3A : vector<16xi32>
      %gather3A_209 = tpu.vector_load_idx %arg8[%add3A_208] : memref<200xi32, #tpu.memory_space<vmem>>[vector<16xi32>], vector<16xi32>,
      %sub3A_210 = arith.subi %gather3A, %gather3A_209 : vector<16xi32>
      %abs3A_211 = math.absi %sub3A_210 : vector<16xi32>
      %max3A_212 = arith.constant 1 : i32
      %max3A_213 = vector.broadcast %max3A_212 : i32 to vector<16xi32>
      %max3A_214 = arith.maxsi %abs3A_211, %max3A_213 : vector<16xi32>
      %convert_element_type3A_215 = arith.sitofp %max3A_214 : vector<16xi32> to vector<16xf32>
      %bitcast3A_216 = vector.bitcast %convert_element_type3A_215 : vector<16xf32> to vector<16xi32>
      %shift_right_arithmetic3A_217 = arith.constant 23 : i32
      %shift_right_arithmetic3A_218 = vector.broadcast %shift_right_arithmetic3A_217 : i32 to vector<16xi32>
      %shift_right_arithmetic3A_219 = arith.shrsi %bitcast3A_216, %shift_right_arithmetic3A_218 : vector<16xi32>
      %sub3A_220 = arith.constant 127 : i32
      %sub3A_221 = vector.broadcast %sub3A_220 : i32 to vector<16xi32>
      %sub3A_222 = arith.subi %shift_right_arithmetic3A_219, %sub3A_221 : vector<16xi32>
      %and3A_223 = arith.constant 8388607 : i32
      %and3A_224 = vector.broadcast %and3A_223 : i32 to vector<16xi32>
      %and3A_225 = arith.andi %bitcast3A_216, %and3A_224 : vector<16xi32>
      %gather3A_226 = tpu.vector_load_idx %arg11[%sub3A_222] : memref<32xi32, #tpu.memory_space<vmem>>[vector<16xi32>], vector<16xi32>,
      %gather3A_227 = tpu.vector_load_idx %arg12[%sub3A_222] : memref<96xi32, #tpu.memory_space<vmem>>[vector<16xi32>], vector<16xi32>,
      %ge3A_228 = arith.cmpi sge, %and3A_225, %gather3A_227 : vector<16xi32>
      %jit3A_229 = arith.constant 1 : i32
      %jit3A_230 = arith.constant 0 : i32
      %broadcast_in_dim3A_231 = vector.broadcast %jit3A_229 : i32 to vector<16xi32>
      %broadcast_in_dim3A_232 = vector.broadcast %jit3A_230 : i32 to vector<16xi32>
      %select_n3A_233 = arith.select %ge3A_228, %broadcast_in_dim3A_231, %broadcast_in_dim3A_232 : vector<16xi1>, vector<16xi32>
      %add3A_234 = arith.constant 32 : i32
      %add3A_235 = vector.broadcast %add3A_234 : i32 to vector<16xi32>
      %add3A_236 = arith.addi %sub3A_222, %add3A_235 : vector<16xi32>
      %gather3A_237 = tpu.vector_load_idx %arg12[%add3A_236] : memref<96xi32, #tpu.memory_space<vmem>>[vector<16xi32>], vector<16xi32>,
      %ge3A_238 = arith.cmpi sge, %and3A_225, %gather3A_237 : vector<16xi32>
      %jit3A_239 = arith.constant 1 : i32
      %jit3A_240 = arith.constant 0 : i32
      %broadcast_in_dim3A_241 = vector.broadcast %jit3A_239 : i32 to vector<16xi32>
      %broadcast_in_dim3A_242 = vector.broadcast %jit3A_240 : i32 to vector<16xi32>
      %select_n3A_243 = arith.select %ge3A_238, %broadcast_in_dim3A_241, %broadcast_in_dim3A_242 : vector<16xi1>, vector<16xi32>
      %add3A_244 = arith.constant 64 : i32
      %add3A_245 = vector.broadcast %add3A_244 : i32 to vector<16xi32>
      %add3A_246 = arith.addi %sub3A_222, %add3A_245 : vector<16xi32>
      %gather3A_247 = tpu.vector_load_idx %arg12[%add3A_246] : memref<96xi32, #tpu.memory_space<vmem>>[vector<16xi32>], vector<16xi32>,
      %ge3A_248 = arith.cmpi sge, %and3A_225, %gather3A_247 : vector<16xi32>
      %jit3A_249 = arith.constant 1 : i32
      %jit3A_250 = arith.constant 0 : i32
      %broadcast_in_dim3A_251 = vector.broadcast %jit3A_249 : i32 to vector<16xi32>
      %broadcast_in_dim3A_252 = vector.broadcast %jit3A_250 : i32 to vector<16xi32>
      %select_n3A_253 = arith.select %ge3A_248, %broadcast_in_dim3A_251, %broadcast_in_dim3A_252 : vector<16xi1>, vector<16xi32>
      %add3A_254 = arith.addi %gather3A_226, %select_n3A_233 : vector<16xi32>
      %add3A_255 = arith.addi %add3A_254, %select_n3A_243 : vector<16xi32>
      %add3A_256 = arith.addi %add3A_255, %select_n3A_253 : vector<16xi32>
      %gather3A_257 = tpu.vector_load_idx %arg9[%add3A_256] : memref<136xf32, #tpu.memory_space<vmem>>[vector<16xi32>], vector<16xf32>,
      %add3A_258 = arith.constant 48 : i32
      %add3A_259 = arith.addi %sub3A_26, %add3A_258 : i32
      %add3A_260 = vector.broadcast %add3A_259 : i32 to vector<16xi32>
      %add3A_261 = arith.addi %add3A_260, %iota3A : vector<16xi32>
      %gather3A_262 = tpu.vector_load_idx %arg10[%add3A_261] : memref<408xf32, #tpu.memory_space<vmem>>[vector<16xi32>], vector<16xf32>,
      %add3A_263 = arith.constant 48 : i32
      %add3A_264 = arith.addi %mul3A_28, %add3A_263 : i32
      %add3A_265 = vector.broadcast %add3A_264 : i32 to vector<16xi32>
      %add3A_266 = arith.addi %add3A_265, %iota3A : vector<16xi32>
      %add3A_267 = arith.addf %gather3A_257, %gather3A_262 : vector<16xf32>
      tpu.vector_store_idx %arg13[%add3A_266], %add3A_267 : memref<40000xf32, #tpu.memory_space<vmem>>[vector<16xi32>], vector<16xf32>,
      %add3A_268 = arith.constant 64 : i32
      %add3A_269 = vector.broadcast %add3A_268 : i32 to vector<16xi32>
      %add3A_270 = arith.addi %add3A_269, %iota3A : vector<16xi32>
      %gather3A_271 = tpu.vector_load_idx %arg8[%add3A_270] : memref<200xi32, #tpu.memory_space<vmem>>[vector<16xi32>], vector<16xi32>,
      %sub3A_272 = arith.subi %gather3A, %gather3A_271 : vector<16xi32>
      %abs3A_273 = math.absi %sub3A_272 : vector<16xi32>
      %max3A_274 = arith.constant 1 : i32
      %max3A_275 = vector.broadcast %max3A_274 : i32 to vector<16xi32>
      %max3A_276 = arith.maxsi %abs3A_273, %max3A_275 : vector<16xi32>
      %convert_element_type3A_277 = arith.sitofp %max3A_276 : vector<16xi32> to vector<16xf32>
      %bitcast3A_278 = vector.bitcast %convert_element_type3A_277 : vector<16xf32> to vector<16xi32>
      %shift_right_arithmetic3A_279 = arith.constant 23 : i32
      %shift_right_arithmetic3A_280 = vector.broadcast %shift_right_arithmetic3A_279 : i32 to vector<16xi32>
      %shift_right_arithmetic3A_281 = arith.shrsi %bitcast3A_278, %shift_right_arithmetic3A_280 : vector<16xi32>
      %sub3A_282 = arith.constant 127 : i32
      %sub3A_283 = vector.broadcast %sub3A_282 : i32 to vector<16xi32>
      %sub3A_284 = arith.subi %shift_right_arithmetic3A_281, %sub3A_283 : vector<16xi32>
      %and3A_285 = arith.constant 8388607 : i32
      %and3A_286 = vector.broadcast %and3A_285 : i32 to vector<16xi32>
      %and3A_287 = arith.andi %bitcast3A_278, %and3A_286 : vector<16xi32>
      %gather3A_288 = tpu.vector_load_idx %arg11[%sub3A_284] : memref<32xi32, #tpu.memory_space<vmem>>[vector<16xi32>], vector<16xi32>,
      %gather3A_289 = tpu.vector_load_idx %arg12[%sub3A_284] : memref<96xi32, #tpu.memory_space<vmem>>[vector<16xi32>], vector<16xi32>,
      %ge3A_290 = arith.cmpi sge, %and3A_287, %gather3A_289 : vector<16xi32>
      %jit3A_291 = arith.constant 1 : i32
      %jit3A_292 = arith.constant 0 : i32
      %broadcast_in_dim3A_293 = vector.broadcast %jit3A_291 : i32 to vector<16xi32>
      %broadcast_in_dim3A_294 = vector.broadcast %jit3A_292 : i32 to vector<16xi32>
      %select_n3A_295 = arith.select %ge3A_290, %broadcast_in_dim3A_293, %broadcast_in_dim3A_294 : vector<16xi1>, vector<16xi32>
      %add3A_296 = arith.constant 32 : i32
      %add3A_297 = vector.broadcast %add3A_296 : i32 to vector<16xi32>
      %add3A_298 = arith.addi %sub3A_284, %add3A_297 : vector<16xi32>
      %gather3A_299 = tpu.vector_load_idx %arg12[%add3A_298] : memref<96xi32, #tpu.memory_space<vmem>>[vector<16xi32>], vector<16xi32>,
      %ge3A_300 = arith.cmpi sge, %and3A_287, %gather3A_299 : vector<16xi32>
      %jit3A_301 = arith.constant 1 : i32
      %jit3A_302 = arith.constant 0 : i32
      %broadcast_in_dim3A_303 = vector.broadcast %jit3A_301 : i32 to vector<16xi32>
      %broadcast_in_dim3A_304 = vector.broadcast %jit3A_302 : i32 to vector<16xi32>
      %select_n3A_305 = arith.select %ge3A_300, %broadcast_in_dim3A_303, %broadcast_in_dim3A_304 : vector<16xi1>, vector<16xi32>
      %add3A_306 = arith.constant 64 : i32
      %add3A_307 = vector.broadcast %add3A_306 : i32 to vector<16xi32>
      %add3A_308 = arith.addi %sub3A_284, %add3A_307 : vector<16xi32>
      %gather3A_309 = tpu.vector_load_idx %arg12[%add3A_308] : memref<96xi32, #tpu.memory_space<vmem>>[vector<16xi32>], vector<16xi32>,
      %ge3A_310 = arith.cmpi sge, %and3A_287, %gather3A_309 : vector<16xi32>
      %jit3A_311 = arith.constant 1 : i32
      %jit3A_312 = arith.constant 0 : i32
      %broadcast_in_dim3A_313 = vector.broadcast %jit3A_311 : i32 to vector<16xi32>
      %broadcast_in_dim3A_314 = vector.broadcast %jit3A_312 : i32 to vector<16xi32>
      %select_n3A_315 = arith.select %ge3A_310, %broadcast_in_dim3A_313, %broadcast_in_dim3A_314 : vector<16xi1>, vector<16xi32>
      %add3A_316 = arith.addi %gather3A_288, %select_n3A_295 : vector<16xi32>
      %add3A_317 = arith.addi %add3A_316, %select_n3A_305 : vector<16xi32>
      %add3A_318 = arith.addi %add3A_317, %select_n3A_315 : vector<16xi32>
      %gather3A_319 = tpu.vector_load_idx %arg9[%add3A_318] : memref<136xf32, #tpu.memory_space<vmem>>[vector<16xi32>], vector<16xf32>,
      %add3A_320 = arith.constant 64 : i32
      %add3A_321 = arith.addi %sub3A_26, %add3A_320 : i32
      %add3A_322 = vector.broadcast %add3A_321 : i32 to vector<16xi32>
      %add3A_323 = arith.addi %add3A_322, %iota3A : vector<16xi32>
      %gather3A_324 = tpu.vector_load_idx %arg10[%add3A_323] : memref<408xf32, #tpu.memory_space<vmem>>[vector<16xi32>], vector<16xf32>,
      %add3A_325 = arith.constant 64 : i32
      %add3A_326 = arith.addi %mul3A_28, %add3A_325 : i32
      %add3A_327 = vector.broadcast %add3A_326 : i32 to vector<16xi32>
      %add3A_328 = arith.addi %add3A_327, %iota3A : vector<16xi32>
      %add3A_329 = arith.addf %gather3A_319, %gather3A_324 : vector<16xf32>
      tpu.vector_store_idx %arg13[%add3A_328], %add3A_329 : memref<40000xf32, #tpu.memory_space<vmem>>[vector<16xi32>], vector<16xf32>,
      %add3A_330 = arith.constant 80 : i32
      %add3A_331 = vector.broadcast %add3A_330 : i32 to vector<16xi32>
      %add3A_332 = arith.addi %add3A_331, %iota3A : vector<16xi32>
      %gather3A_333 = tpu.vector_load_idx %arg8[%add3A_332] : memref<200xi32, #tpu.memory_space<vmem>>[vector<16xi32>], vector<16xi32>,
      %sub3A_334 = arith.subi %gather3A, %gather3A_333 : vector<16xi32>
      %abs3A_335 = math.absi %sub3A_334 : vector<16xi32>
      %max3A_336 = arith.constant 1 : i32
      %max3A_337 = vector.broadcast %max3A_336 : i32 to vector<16xi32>
      %max3A_338 = arith.maxsi %abs3A_335, %max3A_337 : vector<16xi32>
      %convert_element_type3A_339 = arith.sitofp %max3A_338 : vector<16xi32> to vector<16xf32>
      %bitcast3A_340 = vector.bitcast %convert_element_type3A_339 : vector<16xf32> to vector<16xi32>
      %shift_right_arithmetic3A_341 = arith.constant 23 : i32
      %shift_right_arithmetic3A_342 = vector.broadcast %shift_right_arithmetic3A_341 : i32 to vector<16xi32>
      %shift_right_arithmetic3A_343 = arith.shrsi %bitcast3A_340, %shift_right_arithmetic3A_342 : vector<16xi32>
      %sub3A_344 = arith.constant 127 : i32
      %sub3A_345 = vector.broadcast %sub3A_344 : i32 to vector<16xi32>
      %sub3A_346 = arith.subi %shift_right_arithmetic3A_343, %sub3A_345 : vector<16xi32>
      %and3A_347 = arith.constant 8388607 : i32
      %and3A_348 = vector.broadcast %and3A_347 : i32 to vector<16xi32>
      %and3A_349 = arith.andi %bitcast3A_340, %and3A_348 : vector<16xi32>
      %gather3A_350 = tpu.vector_load_idx %arg11[%sub3A_346] : memref<32xi32, #tpu.memory_space<vmem>>[vector<16xi32>], vector<16xi32>,
      %gather3A_351 = tpu.vector_load_idx %arg12[%sub3A_346] : memref<96xi32, #tpu.memory_space<vmem>>[vector<16xi32>], vector<16xi32>,
      %ge3A_352 = arith.cmpi sge, %and3A_349, %gather3A_351 : vector<16xi32>
      %jit3A_353 = arith.constant 1 : i32
      %jit3A_354 = arith.constant 0 : i32
      %broadcast_in_dim3A_355 = vector.broadcast %jit3A_353 : i32 to vector<16xi32>
      %broadcast_in_dim3A_356 = vector.broadcast %jit3A_354 : i32 to vector<16xi32>
      %select_n3A_357 = arith.select %ge3A_352, %broadcast_in_dim3A_355, %broadcast_in_dim3A_356 : vector<16xi1>, vector<16xi32>
      %add3A_358 = arith.constant 32 : i32
      %add3A_359 = vector.broadcast %add3A_358 : i32 to vector<16xi32>
      %add3A_360 = arith.addi %sub3A_346, %add3A_359 : vector<16xi32>
      %gather3A_361 = tpu.vector_load_idx %arg12[%add3A_360] : memref<96xi32, #tpu.memory_space<vmem>>[vector<16xi32>], vector<16xi32>,
      %ge3A_362 = arith.cmpi sge, %and3A_349, %gather3A_361 : vector<16xi32>
      %jit3A_363 = arith.constant 1 : i32
      %jit3A_364 = arith.constant 0 : i32
      %broadcast_in_dim3A_365 = vector.broadcast %jit3A_363 : i32 to vector<16xi32>
      %broadcast_in_dim3A_366 = vector.broadcast %jit3A_364 : i32 to vector<16xi32>
      %select_n3A_367 = arith.select %ge3A_362, %broadcast_in_dim3A_365, %broadcast_in_dim3A_366 : vector<16xi1>, vector<16xi32>
      %add3A_368 = arith.constant 64 : i32
      %add3A_369 = vector.broadcast %add3A_368 : i32 to vector<16xi32>
      %add3A_370 = arith.addi %sub3A_346, %add3A_369 : vector<16xi32>
      %gather3A_371 = tpu.vector_load_idx %arg12[%add3A_370] : memref<96xi32, #tpu.memory_space<vmem>>[vector<16xi32>], vector<16xi32>,
      %ge3A_372 = arith.cmpi sge, %and3A_349, %gather3A_371 : vector<16xi32>
      %jit3A_373 = arith.constant 1 : i32
      %jit3A_374 = arith.constant 0 : i32
      %broadcast_in_dim3A_375 = vector.broadcast %jit3A_373 : i32 to vector<16xi32>
      %broadcast_in_dim3A_376 = vector.broadcast %jit3A_374 : i32 to vector<16xi32>
      %select_n3A_377 = arith.select %ge3A_372, %broadcast_in_dim3A_375, %broadcast_in_dim3A_376 : vector<16xi1>, vector<16xi32>
      %add3A_378 = arith.addi %gather3A_350, %select_n3A_357 : vector<16xi32>
      %add3A_379 = arith.addi %add3A_378, %select_n3A_367 : vector<16xi32>
      %add3A_380 = arith.addi %add3A_379, %select_n3A_377 : vector<16xi32>
      %gather3A_381 = tpu.vector_load_idx %arg9[%add3A_380] : memref<136xf32, #tpu.memory_space<vmem>>[vector<16xi32>], vector<16xf32>,
      %add3A_382 = arith.constant 80 : i32
      %add3A_383 = arith.addi %sub3A_26, %add3A_382 : i32
      %add3A_384 = vector.broadcast %add3A_383 : i32 to vector<16xi32>
      %add3A_385 = arith.addi %add3A_384, %iota3A : vector<16xi32>
      %gather3A_386 = tpu.vector_load_idx %arg10[%add3A_385] : memref<408xf32, #tpu.memory_space<vmem>>[vector<16xi32>], vector<16xf32>,
      %add3A_387 = arith.constant 80 : i32
      %add3A_388 = arith.addi %mul3A_28, %add3A_387 : i32
      %add3A_389 = vector.broadcast %add3A_388 : i32 to vector<16xi32>
      %add3A_390 = arith.addi %add3A_389, %iota3A : vector<16xi32>
      %add3A_391 = arith.addf %gather3A_381, %gather3A_386 : vector<16xf32>
      tpu.vector_store_idx %arg13[%add3A_390], %add3A_391 : memref<40000xf32, #tpu.memory_space<vmem>>[vector<16xi32>], vector<16xf32>,
      %add3A_392 = arith.constant 96 : i32
      %add3A_393 = vector.broadcast %add3A_392 : i32 to vector<16xi32>
      %add3A_394 = arith.addi %add3A_393, %iota3A : vector<16xi32>
      %gather3A_395 = tpu.vector_load_idx %arg8[%add3A_394] : memref<200xi32, #tpu.memory_space<vmem>>[vector<16xi32>], vector<16xi32>,
      %sub3A_396 = arith.subi %gather3A, %gather3A_395 : vector<16xi32>
      %abs3A_397 = math.absi %sub3A_396 : vector<16xi32>
      %max3A_398 = arith.constant 1 : i32
      %max3A_399 = vector.broadcast %max3A_398 : i32 to vector<16xi32>
      %max3A_400 = arith.maxsi %abs3A_397, %max3A_399 : vector<16xi32>
      %convert_element_type3A_401 = arith.sitofp %max3A_400 : vector<16xi32> to vector<16xf32>
      %bitcast3A_402 = vector.bitcast %convert_element_type3A_401 : vector<16xf32> to vector<16xi32>
      %shift_right_arithmetic3A_403 = arith.constant 23 : i32
      %shift_right_arithmetic3A_404 = vector.broadcast %shift_right_arithmetic3A_403 : i32 to vector<16xi32>
      %shift_right_arithmetic3A_405 = arith.shrsi %bitcast3A_402, %shift_right_arithmetic3A_404 : vector<16xi32>
      %sub3A_406 = arith.constant 127 : i32
      %sub3A_407 = vector.broadcast %sub3A_406 : i32 to vector<16xi32>
      %sub3A_408 = arith.subi %shift_right_arithmetic3A_405, %sub3A_407 : vector<16xi32>
      %and3A_409 = arith.constant 8388607 : i32
      %and3A_410 = vector.broadcast %and3A_409 : i32 to vector<16xi32>
      %and3A_411 = arith.andi %bitcast3A_402, %and3A_410 : vector<16xi32>
      %gather3A_412 = tpu.vector_load_idx %arg11[%sub3A_408] : memref<32xi32, #tpu.memory_space<vmem>>[vector<16xi32>], vector<16xi32>,
      %gather3A_413 = tpu.vector_load_idx %arg12[%sub3A_408] : memref<96xi32, #tpu.memory_space<vmem>>[vector<16xi32>], vector<16xi32>,
      %ge3A_414 = arith.cmpi sge, %and3A_411, %gather3A_413 : vector<16xi32>
      %jit3A_415 = arith.constant 1 : i32
      %jit3A_416 = arith.constant 0 : i32
      %broadcast_in_dim3A_417 = vector.broadcast %jit3A_415 : i32 to vector<16xi32>
      %broadcast_in_dim3A_418 = vector.broadcast %jit3A_416 : i32 to vector<16xi32>
      %select_n3A_419 = arith.select %ge3A_414, %broadcast_in_dim3A_417, %broadcast_in_dim3A_418 : vector<16xi1>, vector<16xi32>
      %add3A_420 = arith.constant 32 : i32
      %add3A_421 = vector.broadcast %add3A_420 : i32 to vector<16xi32>
      %add3A_422 = arith.addi %sub3A_408, %add3A_421 : vector<16xi32>
      %gather3A_423 = tpu.vector_load_idx %arg12[%add3A_422] : memref<96xi32, #tpu.memory_space<vmem>>[vector<16xi32>], vector<16xi32>,
      %ge3A_424 = arith.cmpi sge, %and3A_411, %gather3A_423 : vector<16xi32>
      %jit3A_425 = arith.constant 1 : i32
      %jit3A_426 = arith.constant 0 : i32
      %broadcast_in_dim3A_427 = vector.broadcast %jit3A_425 : i32 to vector<16xi32>
      %broadcast_in_dim3A_428 = vector.broadcast %jit3A_426 : i32 to vector<16xi32>
      %select_n3A_429 = arith.select %ge3A_424, %broadcast_in_dim3A_427, %broadcast_in_dim3A_428 : vector<16xi1>, vector<16xi32>
      %add3A_430 = arith.constant 64 : i32
      %add3A_431 = vector.broadcast %add3A_430 : i32 to vector<16xi32>
      %add3A_432 = arith.addi %sub3A_408, %add3A_431 : vector<16xi32>
      %gather3A_433 = tpu.vector_load_idx %arg12[%add3A_432] : memref<96xi32, #tpu.memory_space<vmem>>[vector<16xi32>], vector<16xi32>,
      %ge3A_434 = arith.cmpi sge, %and3A_411, %gather3A_433 : vector<16xi32>
      %jit3A_435 = arith.constant 1 : i32
      %jit3A_436 = arith.constant 0 : i32
      %broadcast_in_dim3A_437 = vector.broadcast %jit3A_435 : i32 to vector<16xi32>
      %broadcast_in_dim3A_438 = vector.broadcast %jit3A_436 : i32 to vector<16xi32>
      %select_n3A_439 = arith.select %ge3A_434, %broadcast_in_dim3A_437, %broadcast_in_dim3A_438 : vector<16xi1>, vector<16xi32>
      %add3A_440 = arith.addi %gather3A_412, %select_n3A_419 : vector<16xi32>
      %add3A_441 = arith.addi %add3A_440, %select_n3A_429 : vector<16xi32>
      %add3A_442 = arith.addi %add3A_441, %select_n3A_439 : vector<16xi32>
      %gather3A_443 = tpu.vector_load_idx %arg9[%add3A_442] : memref<136xf32, #tpu.memory_space<vmem>>[vector<16xi32>], vector<16xf32>,
      %add3A_444 = arith.constant 96 : i32
      %add3A_445 = arith.addi %sub3A_26, %add3A_444 : i32
      %add3A_446 = vector.broadcast %add3A_445 : i32 to vector<16xi32>
      %add3A_447 = arith.addi %add3A_446, %iota3A : vector<16xi32>
      %gather3A_448 = tpu.vector_load_idx %arg10[%add3A_447] : memref<408xf32, #tpu.memory_space<vmem>>[vector<16xi32>], vector<16xf32>,
      %add3A_449 = arith.constant 96 : i32
      %add3A_450 = arith.addi %mul3A_28, %add3A_449 : i32
      %add3A_451 = vector.broadcast %add3A_450 : i32 to vector<16xi32>
      %add3A_452 = arith.addi %add3A_451, %iota3A : vector<16xi32>
      %add3A_453 = arith.addf %gather3A_443, %gather3A_448 : vector<16xf32>
      tpu.vector_store_idx %arg13[%add3A_452], %add3A_453 : memref<40000xf32, #tpu.memory_space<vmem>>[vector<16xi32>], vector<16xf32>,
      %add3A_454 = arith.constant 112 : i32
      %add3A_455 = vector.broadcast %add3A_454 : i32 to vector<16xi32>
      %add3A_456 = arith.addi %add3A_455, %iota3A : vector<16xi32>
      %gather3A_457 = tpu.vector_load_idx %arg8[%add3A_456] : memref<200xi32, #tpu.memory_space<vmem>>[vector<16xi32>], vector<16xi32>,
      %sub3A_458 = arith.subi %gather3A, %gather3A_457 : vector<16xi32>
      %abs3A_459 = math.absi %sub3A_458 : vector<16xi32>
      %max3A_460 = arith.constant 1 : i32
      %max3A_461 = vector.broadcast %max3A_460 : i32 to vector<16xi32>
      %max3A_462 = arith.maxsi %abs3A_459, %max3A_461 : vector<16xi32>
      %convert_element_type3A_463 = arith.sitofp %max3A_462 : vector<16xi32> to vector<16xf32>
      %bitcast3A_464 = vector.bitcast %convert_element_type3A_463 : vector<16xf32> to vector<16xi32>
      %shift_right_arithmetic3A_465 = arith.constant 23 : i32
      %shift_right_arithmetic3A_466 = vector.broadcast %shift_right_arithmetic3A_465 : i32 to vector<16xi32>
      %shift_right_arithmetic3A_467 = arith.shrsi %bitcast3A_464, %shift_right_arithmetic3A_466 : vector<16xi32>
      %sub3A_468 = arith.constant 127 : i32
      %sub3A_469 = vector.broadcast %sub3A_468 : i32 to vector<16xi32>
      %sub3A_470 = arith.subi %shift_right_arithmetic3A_467, %sub3A_469 : vector<16xi32>
      %and3A_471 = arith.constant 8388607 : i32
      %and3A_472 = vector.broadcast %and3A_471 : i32 to vector<16xi32>
      %and3A_473 = arith.andi %bitcast3A_464, %and3A_472 : vector<16xi32>
      %gather3A_474 = tpu.vector_load_idx %arg11[%sub3A_470] : memref<32xi32, #tpu.memory_space<vmem>>[vector<16xi32>], vector<16xi32>,
      %gather3A_475 = tpu.vector_load_idx %arg12[%sub3A_470] : memref<96xi32, #tpu.memory_space<vmem>>[vector<16xi32>], vector<16xi32>,
      %ge3A_476 = arith.cmpi sge, %and3A_473, %gather3A_475 : vector<16xi32>
      %jit3A_477 = arith.constant 1 : i32
      %jit3A_478 = arith.constant 0 : i32
      %broadcast_in_dim3A_479 = vector.broadcast %jit3A_477 : i32 to vector<16xi32>
      %broadcast_in_dim3A_480 = vector.broadcast %jit3A_478 : i32 to vector<16xi32>
      %select_n3A_481 = arith.select %ge3A_476, %broadcast_in_dim3A_479, %broadcast_in_dim3A_480 : vector<16xi1>, vector<16xi32>
      %add3A_482 = arith.constant 32 : i32
      %add3A_483 = vector.broadcast %add3A_482 : i32 to vector<16xi32>
      %add3A_484 = arith.addi %sub3A_470, %add3A_483 : vector<16xi32>
      %gather3A_485 = tpu.vector_load_idx %arg12[%add3A_484] : memref<96xi32, #tpu.memory_space<vmem>>[vector<16xi32>], vector<16xi32>,
      %ge3A_486 = arith.cmpi sge, %and3A_473, %gather3A_485 : vector<16xi32>
      %jit3A_487 = arith.constant 1 : i32
      %jit3A_488 = arith.constant 0 : i32
      %broadcast_in_dim3A_489 = vector.broadcast %jit3A_487 : i32 to vector<16xi32>
      %broadcast_in_dim3A_490 = vector.broadcast %jit3A_488 : i32 to vector<16xi32>
      %select_n3A_491 = arith.select %ge3A_486, %broadcast_in_dim3A_489, %broadcast_in_dim3A_490 : vector<16xi1>, vector<16xi32>
      %add3A_492 = arith.constant 64 : i32
      %add3A_493 = vector.broadcast %add3A_492 : i32 to vector<16xi32>
      %add3A_494 = arith.addi %sub3A_470, %add3A_493 : vector<16xi32>
      %gather3A_495 = tpu.vector_load_idx %arg12[%add3A_494] : memref<96xi32, #tpu.memory_space<vmem>>[vector<16xi32>], vector<16xi32>,
      %ge3A_496 = arith.cmpi sge, %and3A_473, %gather3A_495 : vector<16xi32>
      %jit3A_497 = arith.constant 1 : i32
      %jit3A_498 = arith.constant 0 : i32
      %broadcast_in_dim3A_499 = vector.broadcast %jit3A_497 : i32 to vector<16xi32>
      %broadcast_in_dim3A_500 = vector.broadcast %jit3A_498 : i32 to vector<16xi32>
      %select_n3A_501 = arith.select %ge3A_496, %broadcast_in_dim3A_499, %broadcast_in_dim3A_500 : vector<16xi1>, vector<16xi32>
      %add3A_502 = arith.addi %gather3A_474, %select_n3A_481 : vector<16xi32>
      %add3A_503 = arith.addi %add3A_502, %select_n3A_491 : vector<16xi32>
      %add3A_504 = arith.addi %add3A_503, %select_n3A_501 : vector<16xi32>
      %gather3A_505 = tpu.vector_load_idx %arg9[%add3A_504] : memref<136xf32, #tpu.memory_space<vmem>>[vector<16xi32>], vector<16xf32>,
      %add3A_506 = arith.constant 112 : i32
      %add3A_507 = arith.addi %sub3A_26, %add3A_506 : i32
      %add3A_508 = vector.broadcast %add3A_507 : i32 to vector<16xi32>
      %add3A_509 = arith.addi %add3A_508, %iota3A : vector<16xi32>
      %gather3A_510 = tpu.vector_load_idx %arg10[%add3A_509] : memref<408xf32, #tpu.memory_space<vmem>>[vector<16xi32>], vector<16xf32>,
      %add3A_511 = arith.constant 112 : i32
      %add3A_512 = arith.addi %mul3A_28, %add3A_511 : i32
      %add3A_513 = vector.broadcast %add3A_512 : i32 to vector<16xi32>
      %add3A_514 = arith.addi %add3A_513, %iota3A : vector<16xi32>
      %add3A_515 = arith.addf %gather3A_505, %gather3A_510 : vector<16xf32>
      tpu.vector_store_idx %arg13[%add3A_514], %add3A_515 : memref<40000xf32, #tpu.memory_space<vmem>>[vector<16xi32>], vector<16xf32>,
      %add3A_516 = arith.constant 128 : i32
      %add3A_517 = vector.broadcast %add3A_516 : i32 to vector<16xi32>
      %add3A_518 = arith.addi %add3A_517, %iota3A : vector<16xi32>
      %gather3A_519 = tpu.vector_load_idx %arg8[%add3A_518] : memref<200xi32, #tpu.memory_space<vmem>>[vector<16xi32>], vector<16xi32>,
      %sub3A_520 = arith.subi %gather3A, %gather3A_519 : vector<16xi32>
      %abs3A_521 = math.absi %sub3A_520 : vector<16xi32>
      %max3A_522 = arith.constant 1 : i32
      %max3A_523 = vector.broadcast %max3A_522 : i32 to vector<16xi32>
      %max3A_524 = arith.maxsi %abs3A_521, %max3A_523 : vector<16xi32>
      %convert_element_type3A_525 = arith.sitofp %max3A_524 : vector<16xi32> to vector<16xf32>
      %bitcast3A_526 = vector.bitcast %convert_element_type3A_525 : vector<16xf32> to vector<16xi32>
      %shift_right_arithmetic3A_527 = arith.constant 23 : i32
      %shift_right_arithmetic3A_528 = vector.broadcast %shift_right_arithmetic3A_527 : i32 to vector<16xi32>
      %shift_right_arithmetic3A_529 = arith.shrsi %bitcast3A_526, %shift_right_arithmetic3A_528 : vector<16xi32>
      %sub3A_530 = arith.constant 127 : i32
      %sub3A_531 = vector.broadcast %sub3A_530 : i32 to vector<16xi32>
      %sub3A_532 = arith.subi %shift_right_arithmetic3A_529, %sub3A_531 : vector<16xi32>
      %and3A_533 = arith.constant 8388607 : i32
      %and3A_534 = vector.broadcast %and3A_533 : i32 to vector<16xi32>
      %and3A_535 = arith.andi %bitcast3A_526, %and3A_534 : vector<16xi32>
      %gather3A_536 = tpu.vector_load_idx %arg11[%sub3A_532] : memref<32xi32, #tpu.memory_space<vmem>>[vector<16xi32>], vector<16xi32>,
      %gather3A_537 = tpu.vector_load_idx %arg12[%sub3A_532] : memref<96xi32, #tpu.memory_space<vmem>>[vector<16xi32>], vector<16xi32>,
      %ge3A_538 = arith.cmpi sge, %and3A_535, %gather3A_537 : vector<16xi32>
      %jit3A_539 = arith.constant 1 : i32
      %jit3A_540 = arith.constant 0 : i32
      %broadcast_in_dim3A_541 = vector.broadcast %jit3A_539 : i32 to vector<16xi32>
      %broadcast_in_dim3A_542 = vector.broadcast %jit3A_540 : i32 to vector<16xi32>
      %select_n3A_543 = arith.select %ge3A_538, %broadcast_in_dim3A_541, %broadcast_in_dim3A_542 : vector<16xi1>, vector<16xi32>
      %add3A_544 = arith.constant 32 : i32
      %add3A_545 = vector.broadcast %add3A_544 : i32 to vector<16xi32>
      %add3A_546 = arith.addi %sub3A_532, %add3A_545 : vector<16xi32>
      %gather3A_547 = tpu.vector_load_idx %arg12[%add3A_546] : memref<96xi32, #tpu.memory_space<vmem>>[vector<16xi32>], vector<16xi32>,
      %ge3A_548 = arith.cmpi sge, %and3A_535, %gather3A_547 : vector<16xi32>
      %jit3A_549 = arith.constant 1 : i32
      %jit3A_550 = arith.constant 0 : i32
      %broadcast_in_dim3A_551 = vector.broadcast %jit3A_549 : i32 to vector<16xi32>
      %broadcast_in_dim3A_552 = vector.broadcast %jit3A_550 : i32 to vector<16xi32>
      %select_n3A_553 = arith.select %ge3A_548, %broadcast_in_dim3A_551, %broadcast_in_dim3A_552 : vector<16xi1>, vector<16xi32>
      %add3A_554 = arith.constant 64 : i32
      %add3A_555 = vector.broadcast %add3A_554 : i32 to vector<16xi32>
      %add3A_556 = arith.addi %sub3A_532, %add3A_555 : vector<16xi32>
      %gather3A_557 = tpu.vector_load_idx %arg12[%add3A_556] : memref<96xi32, #tpu.memory_space<vmem>>[vector<16xi32>], vector<16xi32>,
      %ge3A_558 = arith.cmpi sge, %and3A_535, %gather3A_557 : vector<16xi32>
      %jit3A_559 = arith.constant 1 : i32
      %jit3A_560 = arith.constant 0 : i32
      %broadcast_in_dim3A_561 = vector.broadcast %jit3A_559 : i32 to vector<16xi32>
      %broadcast_in_dim3A_562 = vector.broadcast %jit3A_560 : i32 to vector<16xi32>
      %select_n3A_563 = arith.select %ge3A_558, %broadcast_in_dim3A_561, %broadcast_in_dim3A_562 : vector<16xi1>, vector<16xi32>
      %add3A_564 = arith.addi %gather3A_536, %select_n3A_543 : vector<16xi32>
      %add3A_565 = arith.addi %add3A_564, %select_n3A_553 : vector<16xi32>
      %add3A_566 = arith.addi %add3A_565, %select_n3A_563 : vector<16xi32>
      %gather3A_567 = tpu.vector_load_idx %arg9[%add3A_566] : memref<136xf32, #tpu.memory_space<vmem>>[vector<16xi32>], vector<16xf32>,
      %add3A_568 = arith.constant 128 : i32
      %add3A_569 = arith.addi %sub3A_26, %add3A_568 : i32
      %add3A_570 = vector.broadcast %add3A_569 : i32 to vector<16xi32>
      %add3A_571 = arith.addi %add3A_570, %iota3A : vector<16xi32>
      %gather3A_572 = tpu.vector_load_idx %arg10[%add3A_571] : memref<408xf32, #tpu.memory_space<vmem>>[vector<16xi32>], vector<16xf32>,
      %add3A_573 = arith.constant 128 : i32
      %add3A_574 = arith.addi %mul3A_28, %add3A_573 : i32
      %add3A_575 = vector.broadcast %add3A_574 : i32 to vector<16xi32>
      %add3A_576 = arith.addi %add3A_575, %iota3A : vector<16xi32>
      %add3A_577 = arith.addf %gather3A_567, %gather3A_572 : vector<16xf32>
      tpu.vector_store_idx %arg13[%add3A_576], %add3A_577 : memref<40000xf32, #tpu.memory_space<vmem>>[vector<16xi32>], vector<16xf32>,
      %add3A_578 = arith.constant 144 : i32
      %add3A_579 = vector.broadcast %add3A_578 : i32 to vector<16xi32>
      %add3A_580 = arith.addi %add3A_579, %iota3A : vector<16xi32>
      %gather3A_581 = tpu.vector_load_idx %arg8[%add3A_580] : memref<200xi32, #tpu.memory_space<vmem>>[vector<16xi32>], vector<16xi32>,
      %sub3A_582 = arith.subi %gather3A, %gather3A_581 : vector<16xi32>
      %abs3A_583 = math.absi %sub3A_582 : vector<16xi32>
      %max3A_584 = arith.constant 1 : i32
      %max3A_585 = vector.broadcast %max3A_584 : i32 to vector<16xi32>
      %max3A_586 = arith.maxsi %abs3A_583, %max3A_585 : vector<16xi32>
      %convert_element_type3A_587 = arith.sitofp %max3A_586 : vector<16xi32> to vector<16xf32>
      %bitcast3A_588 = vector.bitcast %convert_element_type3A_587 : vector<16xf32> to vector<16xi32>
      %shift_right_arithmetic3A_589 = arith.constant 23 : i32
      %shift_right_arithmetic3A_590 = vector.broadcast %shift_right_arithmetic3A_589 : i32 to vector<16xi32>
      %shift_right_arithmetic3A_591 = arith.shrsi %bitcast3A_588, %shift_right_arithmetic3A_590 : vector<16xi32>
      %sub3A_592 = arith.constant 127 : i32
      %sub3A_593 = vector.broadcast %sub3A_592 : i32 to vector<16xi32>
      %sub3A_594 = arith.subi %shift_right_arithmetic3A_591, %sub3A_593 : vector<16xi32>
      %and3A_595 = arith.constant 8388607 : i32
      %and3A_596 = vector.broadcast %and3A_595 : i32 to vector<16xi32>
      %and3A_597 = arith.andi %bitcast3A_588, %and3A_596 : vector<16xi32>
      %gather3A_598 = tpu.vector_load_idx %arg11[%sub3A_594] : memref<32xi32, #tpu.memory_space<vmem>>[vector<16xi32>], vector<16xi32>,
      %gather3A_599 = tpu.vector_load_idx %arg12[%sub3A_594] : memref<96xi32, #tpu.memory_space<vmem>>[vector<16xi32>], vector<16xi32>,
      %ge3A_600 = arith.cmpi sge, %and3A_597, %gather3A_599 : vector<16xi32>
      %jit3A_601 = arith.constant 1 : i32
      %jit3A_602 = arith.constant 0 : i32
      %broadcast_in_dim3A_603 = vector.broadcast %jit3A_601 : i32 to vector<16xi32>
      %broadcast_in_dim3A_604 = vector.broadcast %jit3A_602 : i32 to vector<16xi32>
      %select_n3A_605 = arith.select %ge3A_600, %broadcast_in_dim3A_603, %broadcast_in_dim3A_604 : vector<16xi1>, vector<16xi32>
      %add3A_606 = arith.constant 32 : i32
      %add3A_607 = vector.broadcast %add3A_606 : i32 to vector<16xi32>
      %add3A_608 = arith.addi %sub3A_594, %add3A_607 : vector<16xi32>
      %gather3A_609 = tpu.vector_load_idx %arg12[%add3A_608] : memref<96xi32, #tpu.memory_space<vmem>>[vector<16xi32>], vector<16xi32>,
      %ge3A_610 = arith.cmpi sge, %and3A_597, %gather3A_609 : vector<16xi32>
      %jit3A_611 = arith.constant 1 : i32
      %jit3A_612 = arith.constant 0 : i32
      %broadcast_in_dim3A_613 = vector.broadcast %jit3A_611 : i32 to vector<16xi32>
      %broadcast_in_dim3A_614 = vector.broadcast %jit3A_612 : i32 to vector<16xi32>
      %select_n3A_615 = arith.select %ge3A_610, %broadcast_in_dim3A_613, %broadcast_in_dim3A_614 : vector<16xi1>, vector<16xi32>
      %add3A_616 = arith.constant 64 : i32
      %add3A_617 = vector.broadcast %add3A_616 : i32 to vector<16xi32>
      %add3A_618 = arith.addi %sub3A_594, %add3A_617 : vector<16xi32>
      %gather3A_619 = tpu.vector_load_idx %arg12[%add3A_618] : memref<96xi32, #tpu.memory_space<vmem>>[vector<16xi32>], vector<16xi32>,
      %ge3A_620 = arith.cmpi sge, %and3A_597, %gather3A_619 : vector<16xi32>
      %jit3A_621 = arith.constant 1 : i32
      %jit3A_622 = arith.constant 0 : i32
      %broadcast_in_dim3A_623 = vector.broadcast %jit3A_621 : i32 to vector<16xi32>
      %broadcast_in_dim3A_624 = vector.broadcast %jit3A_622 : i32 to vector<16xi32>
      %select_n3A_625 = arith.select %ge3A_620, %broadcast_in_dim3A_623, %broadcast_in_dim3A_624 : vector<16xi1>, vector<16xi32>
      %add3A_626 = arith.addi %gather3A_598, %select_n3A_605 : vector<16xi32>
      %add3A_627 = arith.addi %add3A_626, %select_n3A_615 : vector<16xi32>
      %add3A_628 = arith.addi %add3A_627, %select_n3A_625 : vector<16xi32>
      %gather3A_629 = tpu.vector_load_idx %arg9[%add3A_628] : memref<136xf32, #tpu.memory_space<vmem>>[vector<16xi32>], vector<16xf32>,
      %add3A_630 = arith.constant 144 : i32
      %add3A_631 = arith.addi %sub3A_26, %add3A_630 : i32
      %add3A_632 = vector.broadcast %add3A_631 : i32 to vector<16xi32>
      %add3A_633 = arith.addi %add3A_632, %iota3A : vector<16xi32>
      %gather3A_634 = tpu.vector_load_idx %arg10[%add3A_633] : memref<408xf32, #tpu.memory_space<vmem>>[vector<16xi32>], vector<16xf32>,
      %add3A_635 = arith.constant 144 : i32
      %add3A_636 = arith.addi %mul3A_28, %add3A_635 : i32
      %add3A_637 = vector.broadcast %add3A_636 : i32 to vector<16xi32>
      %add3A_638 = arith.addi %add3A_637, %iota3A : vector<16xi32>
      %add3A_639 = arith.addf %gather3A_629, %gather3A_634 : vector<16xf32>
      tpu.vector_store_idx %arg13[%add3A_638], %add3A_639 : memref<40000xf32, #tpu.memory_space<vmem>>[vector<16xi32>], vector<16xf32>,
      %add3A_640 = arith.constant 160 : i32
      %add3A_641 = vector.broadcast %add3A_640 : i32 to vector<16xi32>
      %add3A_642 = arith.addi %add3A_641, %iota3A : vector<16xi32>
      %gather3A_643 = tpu.vector_load_idx %arg8[%add3A_642] : memref<200xi32, #tpu.memory_space<vmem>>[vector<16xi32>], vector<16xi32>,
      %sub3A_644 = arith.subi %gather3A, %gather3A_643 : vector<16xi32>
      %abs3A_645 = math.absi %sub3A_644 : vector<16xi32>
      %max3A_646 = arith.constant 1 : i32
      %max3A_647 = vector.broadcast %max3A_646 : i32 to vector<16xi32>
      %max3A_648 = arith.maxsi %abs3A_645, %max3A_647 : vector<16xi32>
      %convert_element_type3A_649 = arith.sitofp %max3A_648 : vector<16xi32> to vector<16xf32>
      %bitcast3A_650 = vector.bitcast %convert_element_type3A_649 : vector<16xf32> to vector<16xi32>
      %shift_right_arithmetic3A_651 = arith.constant 23 : i32
      %shift_right_arithmetic3A_652 = vector.broadcast %shift_right_arithmetic3A_651 : i32 to vector<16xi32>
      %shift_right_arithmetic3A_653 = arith.shrsi %bitcast3A_650, %shift_right_arithmetic3A_652 : vector<16xi32>
      %sub3A_654 = arith.constant 127 : i32
      %sub3A_655 = vector.broadcast %sub3A_654 : i32 to vector<16xi32>
      %sub3A_656 = arith.subi %shift_right_arithmetic3A_653, %sub3A_655 : vector<16xi32>
      %and3A_657 = arith.constant 8388607 : i32
      %and3A_658 = vector.broadcast %and3A_657 : i32 to vector<16xi32>
      %and3A_659 = arith.andi %bitcast3A_650, %and3A_658 : vector<16xi32>
      %gather3A_660 = tpu.vector_load_idx %arg11[%sub3A_656] : memref<32xi32, #tpu.memory_space<vmem>>[vector<16xi32>], vector<16xi32>,
      %gather3A_661 = tpu.vector_load_idx %arg12[%sub3A_656] : memref<96xi32, #tpu.memory_space<vmem>>[vector<16xi32>], vector<16xi32>,
      %ge3A_662 = arith.cmpi sge, %and3A_659, %gather3A_661 : vector<16xi32>
      %jit3A_663 = arith.constant 1 : i32
      %jit3A_664 = arith.constant 0 : i32
      %broadcast_in_dim3A_665 = vector.broadcast %jit3A_663 : i32 to vector<16xi32>
      %broadcast_in_dim3A_666 = vector.broadcast %jit3A_664 : i32 to vector<16xi32>
      %select_n3A_667 = arith.select %ge3A_662, %broadcast_in_dim3A_665, %broadcast_in_dim3A_666 : vector<16xi1>, vector<16xi32>
      %add3A_668 = arith.constant 32 : i32
      %add3A_669 = vector.broadcast %add3A_668 : i32 to vector<16xi32>
      %add3A_670 = arith.addi %sub3A_656, %add3A_669 : vector<16xi32>
      %gather3A_671 = tpu.vector_load_idx %arg12[%add3A_670] : memref<96xi32, #tpu.memory_space<vmem>>[vector<16xi32>], vector<16xi32>,
      %ge3A_672 = arith.cmpi sge, %and3A_659, %gather3A_671 : vector<16xi32>
      %jit3A_673 = arith.constant 1 : i32
      %jit3A_674 = arith.constant 0 : i32
      %broadcast_in_dim3A_675 = vector.broadcast %jit3A_673 : i32 to vector<16xi32>
      %broadcast_in_dim3A_676 = vector.broadcast %jit3A_674 : i32 to vector<16xi32>
      %select_n3A_677 = arith.select %ge3A_672, %broadcast_in_dim3A_675, %broadcast_in_dim3A_676 : vector<16xi1>, vector<16xi32>
      %add3A_678 = arith.constant 64 : i32
      %add3A_679 = vector.broadcast %add3A_678 : i32 to vector<16xi32>
      %add3A_680 = arith.addi %sub3A_656, %add3A_679 : vector<16xi32>
      %gather3A_681 = tpu.vector_load_idx %arg12[%add3A_680] : memref<96xi32, #tpu.memory_space<vmem>>[vector<16xi32>], vector<16xi32>,
      %ge3A_682 = arith.cmpi sge, %and3A_659, %gather3A_681 : vector<16xi32>
      %jit3A_683 = arith.constant 1 : i32
      %jit3A_684 = arith.constant 0 : i32
      %broadcast_in_dim3A_685 = vector.broadcast %jit3A_683 : i32 to vector<16xi32>
      %broadcast_in_dim3A_686 = vector.broadcast %jit3A_684 : i32 to vector<16xi32>
      %select_n3A_687 = arith.select %ge3A_682, %broadcast_in_dim3A_685, %broadcast_in_dim3A_686 : vector<16xi1>, vector<16xi32>
      %add3A_688 = arith.addi %gather3A_660, %select_n3A_667 : vector<16xi32>
      %add3A_689 = arith.addi %add3A_688, %select_n3A_677 : vector<16xi32>
      %add3A_690 = arith.addi %add3A_689, %select_n3A_687 : vector<16xi32>
      %gather3A_691 = tpu.vector_load_idx %arg9[%add3A_690] : memref<136xf32, #tpu.memory_space<vmem>>[vector<16xi32>], vector<16xf32>,
      %add3A_692 = arith.constant 160 : i32
      %add3A_693 = arith.addi %sub3A_26, %add3A_692 : i32
      %add3A_694 = vector.broadcast %add3A_693 : i32 to vector<16xi32>
      %add3A_695 = arith.addi %add3A_694, %iota3A : vector<16xi32>
      %gather3A_696 = tpu.vector_load_idx %arg10[%add3A_695] : memref<408xf32, #tpu.memory_space<vmem>>[vector<16xi32>], vector<16xf32>,
      %add3A_697 = arith.constant 160 : i32
      %add3A_698 = arith.addi %mul3A_28, %add3A_697 : i32
      %add3A_699 = vector.broadcast %add3A_698 : i32 to vector<16xi32>
      %add3A_700 = arith.addi %add3A_699, %iota3A : vector<16xi32>
      %add3A_701 = arith.addf %gather3A_691, %gather3A_696 : vector<16xf32>
      tpu.vector_store_idx %arg13[%add3A_700], %add3A_701 : memref<40000xf32, #tpu.memory_space<vmem>>[vector<16xi32>], vector<16xf32>,
      %add3A_702 = arith.constant 176 : i32
      %add3A_703 = vector.broadcast %add3A_702 : i32 to vector<16xi32>
      %add3A_704 = arith.addi %add3A_703, %iota3A : vector<16xi32>
      %gather3A_705 = tpu.vector_load_idx %arg8[%add3A_704] : memref<200xi32, #tpu.memory_space<vmem>>[vector<16xi32>], vector<16xi32>,
      %sub3A_706 = arith.subi %gather3A, %gather3A_705 : vector<16xi32>
      %abs3A_707 = math.absi %sub3A_706 : vector<16xi32>
      %max3A_708 = arith.constant 1 : i32
      %max3A_709 = vector.broadcast %max3A_708 : i32 to vector<16xi32>
      %max3A_710 = arith.maxsi %abs3A_707, %max3A_709 : vector<16xi32>
      %convert_element_type3A_711 = arith.sitofp %max3A_710 : vector<16xi32> to vector<16xf32>
      %bitcast3A_712 = vector.bitcast %convert_element_type3A_711 : vector<16xf32> to vector<16xi32>
      %shift_right_arithmetic3A_713 = arith.constant 23 : i32
      %shift_right_arithmetic3A_714 = vector.broadcast %shift_right_arithmetic3A_713 : i32 to vector<16xi32>
      %shift_right_arithmetic3A_715 = arith.shrsi %bitcast3A_712, %shift_right_arithmetic3A_714 : vector<16xi32>
      %sub3A_716 = arith.constant 127 : i32
      %sub3A_717 = vector.broadcast %sub3A_716 : i32 to vector<16xi32>
      %sub3A_718 = arith.subi %shift_right_arithmetic3A_715, %sub3A_717 : vector<16xi32>
      %and3A_719 = arith.constant 8388607 : i32
      %and3A_720 = vector.broadcast %and3A_719 : i32 to vector<16xi32>
      %and3A_721 = arith.andi %bitcast3A_712, %and3A_720 : vector<16xi32>
      %gather3A_722 = tpu.vector_load_idx %arg11[%sub3A_718] : memref<32xi32, #tpu.memory_space<vmem>>[vector<16xi32>], vector<16xi32>,
      %gather3A_723 = tpu.vector_load_idx %arg12[%sub3A_718] : memref<96xi32, #tpu.memory_space<vmem>>[vector<16xi32>], vector<16xi32>,
      %ge3A_724 = arith.cmpi sge, %and3A_721, %gather3A_723 : vector<16xi32>
      %jit3A_725 = arith.constant 1 : i32
      %jit3A_726 = arith.constant 0 : i32
      %broadcast_in_dim3A_727 = vector.broadcast %jit3A_725 : i32 to vector<16xi32>
      %broadcast_in_dim3A_728 = vector.broadcast %jit3A_726 : i32 to vector<16xi32>
      %select_n3A_729 = arith.select %ge3A_724, %broadcast_in_dim3A_727, %broadcast_in_dim3A_728 : vector<16xi1>, vector<16xi32>
      %add3A_730 = arith.constant 32 : i32
      %add3A_731 = vector.broadcast %add3A_730 : i32 to vector<16xi32>
      %add3A_732 = arith.addi %sub3A_718, %add3A_731 : vector<16xi32>
      %gather3A_733 = tpu.vector_load_idx %arg12[%add3A_732] : memref<96xi32, #tpu.memory_space<vmem>>[vector<16xi32>], vector<16xi32>,
      %ge3A_734 = arith.cmpi sge, %and3A_721, %gather3A_733 : vector<16xi32>
      %jit3A_735 = arith.constant 1 : i32
      %jit3A_736 = arith.constant 0 : i32
      %broadcast_in_dim3A_737 = vector.broadcast %jit3A_735 : i32 to vector<16xi32>
      %broadcast_in_dim3A_738 = vector.broadcast %jit3A_736 : i32 to vector<16xi32>
      %select_n3A_739 = arith.select %ge3A_734, %broadcast_in_dim3A_737, %broadcast_in_dim3A_738 : vector<16xi1>, vector<16xi32>
      %add3A_740 = arith.constant 64 : i32
      %add3A_741 = vector.broadcast %add3A_740 : i32 to vector<16xi32>
      %add3A_742 = arith.addi %sub3A_718, %add3A_741 : vector<16xi32>
      %gather3A_743 = tpu.vector_load_idx %arg12[%add3A_742] : memref<96xi32, #tpu.memory_space<vmem>>[vector<16xi32>], vector<16xi32>,
      %ge3A_744 = arith.cmpi sge, %and3A_721, %gather3A_743 : vector<16xi32>
      %jit3A_745 = arith.constant 1 : i32
      %jit3A_746 = arith.constant 0 : i32
      %broadcast_in_dim3A_747 = vector.broadcast %jit3A_745 : i32 to vector<16xi32>
      %broadcast_in_dim3A_748 = vector.broadcast %jit3A_746 : i32 to vector<16xi32>
      %select_n3A_749 = arith.select %ge3A_744, %broadcast_in_dim3A_747, %broadcast_in_dim3A_748 : vector<16xi1>, vector<16xi32>
      %add3A_750 = arith.addi %gather3A_722, %select_n3A_729 : vector<16xi32>
      %add3A_751 = arith.addi %add3A_750, %select_n3A_739 : vector<16xi32>
      %add3A_752 = arith.addi %add3A_751, %select_n3A_749 : vector<16xi32>
      %gather3A_753 = tpu.vector_load_idx %arg9[%add3A_752] : memref<136xf32, #tpu.memory_space<vmem>>[vector<16xi32>], vector<16xf32>,
      %add3A_754 = arith.constant 176 : i32
      %add3A_755 = arith.addi %sub3A_26, %add3A_754 : i32
      %add3A_756 = vector.broadcast %add3A_755 : i32 to vector<16xi32>
      %add3A_757 = arith.addi %add3A_756, %iota3A : vector<16xi32>
      %gather3A_758 = tpu.vector_load_idx %arg10[%add3A_757] : memref<408xf32, #tpu.memory_space<vmem>>[vector<16xi32>], vector<16xf32>,
      %add3A_759 = arith.constant 176 : i32
      %add3A_760 = arith.addi %mul3A_28, %add3A_759 : i32
      %add3A_761 = vector.broadcast %add3A_760 : i32 to vector<16xi32>
      %add3A_762 = arith.addi %add3A_761, %iota3A : vector<16xi32>
      %add3A_763 = arith.addf %gather3A_753, %gather3A_758 : vector<16xf32>
      tpu.vector_store_idx %arg13[%add3A_762], %add3A_763 : memref<40000xf32, #tpu.memory_space<vmem>>[vector<16xi32>], vector<16xf32>,
      %add3A_764 = arith.constant 184 : i32
      %add3A_765 = vector.broadcast %add3A_764 : i32 to vector<16xi32>
      %add3A_766 = arith.addi %add3A_765, %iota3A : vector<16xi32>
      %gather3A_767 = tpu.vector_load_idx %arg8[%add3A_766] : memref<200xi32, #tpu.memory_space<vmem>>[vector<16xi32>], vector<16xi32>,
      %sub3A_768 = arith.subi %gather3A, %gather3A_767 : vector<16xi32>
      %abs3A_769 = math.absi %sub3A_768 : vector<16xi32>
      %max3A_770 = arith.constant 1 : i32
      %max3A_771 = vector.broadcast %max3A_770 : i32 to vector<16xi32>
      %max3A_772 = arith.maxsi %abs3A_769, %max3A_771 : vector<16xi32>
      %convert_element_type3A_773 = arith.sitofp %max3A_772 : vector<16xi32> to vector<16xf32>
      %bitcast3A_774 = vector.bitcast %convert_element_type3A_773 : vector<16xf32> to vector<16xi32>
      %shift_right_arithmetic3A_775 = arith.constant 23 : i32
      %shift_right_arithmetic3A_776 = vector.broadcast %shift_right_arithmetic3A_775 : i32 to vector<16xi32>
      %shift_right_arithmetic3A_777 = arith.shrsi %bitcast3A_774, %shift_right_arithmetic3A_776 : vector<16xi32>
      %sub3A_778 = arith.constant 127 : i32
      %sub3A_779 = vector.broadcast %sub3A_778 : i32 to vector<16xi32>
      %sub3A_780 = arith.subi %shift_right_arithmetic3A_777, %sub3A_779 : vector<16xi32>
      %and3A_781 = arith.constant 8388607 : i32
      %and3A_782 = vector.broadcast %and3A_781 : i32 to vector<16xi32>
      %and3A_783 = arith.andi %bitcast3A_774, %and3A_782 : vector<16xi32>
      %gather3A_784 = tpu.vector_load_idx %arg11[%sub3A_780] : memref<32xi32, #tpu.memory_space<vmem>>[vector<16xi32>], vector<16xi32>,
      %gather3A_785 = tpu.vector_load_idx %arg12[%sub3A_780] : memref<96xi32, #tpu.memory_space<vmem>>[vector<16xi32>], vector<16xi32>,
      %ge3A_786 = arith.cmpi sge, %and3A_783, %gather3A_785 : vector<16xi32>
      %jit3A_787 = arith.constant 1 : i32
      %jit3A_788 = arith.constant 0 : i32
      %broadcast_in_dim3A_789 = vector.broadcast %jit3A_787 : i32 to vector<16xi32>
      %broadcast_in_dim3A_790 = vector.broadcast %jit3A_788 : i32 to vector<16xi32>
      %select_n3A_791 = arith.select %ge3A_786, %broadcast_in_dim3A_789, %broadcast_in_dim3A_790 : vector<16xi1>, vector<16xi32>
      %add3A_792 = arith.constant 32 : i32
      %add3A_793 = vector.broadcast %add3A_792 : i32 to vector<16xi32>
      %add3A_794 = arith.addi %sub3A_780, %add3A_793 : vector<16xi32>
      %gather3A_795 = tpu.vector_load_idx %arg12[%add3A_794] : memref<96xi32, #tpu.memory_space<vmem>>[vector<16xi32>], vector<16xi32>,
      %ge3A_796 = arith.cmpi sge, %and3A_783, %gather3A_795 : vector<16xi32>
      %jit3A_797 = arith.constant 1 : i32
      %jit3A_798 = arith.constant 0 : i32
      %broadcast_in_dim3A_799 = vector.broadcast %jit3A_797 : i32 to vector<16xi32>
      %broadcast_in_dim3A_800 = vector.broadcast %jit3A_798 : i32 to vector<16xi32>
      %select_n3A_801 = arith.select %ge3A_796, %broadcast_in_dim3A_799, %broadcast_in_dim3A_800 : vector<16xi1>, vector<16xi32>
      %add3A_802 = arith.constant 64 : i32
      %add3A_803 = vector.broadcast %add3A_802 : i32 to vector<16xi32>
      %add3A_804 = arith.addi %sub3A_780, %add3A_803 : vector<16xi32>
      %gather3A_805 = tpu.vector_load_idx %arg12[%add3A_804] : memref<96xi32, #tpu.memory_space<vmem>>[vector<16xi32>], vector<16xi32>,
      %ge3A_806 = arith.cmpi sge, %and3A_783, %gather3A_805 : vector<16xi32>
      %jit3A_807 = arith.constant 1 : i32
      %jit3A_808 = arith.constant 0 : i32
      %broadcast_in_dim3A_809 = vector.broadcast %jit3A_807 : i32 to vector<16xi32>
      %broadcast_in_dim3A_810 = vector.broadcast %jit3A_808 : i32 to vector<16xi32>
      %select_n3A_811 = arith.select %ge3A_806, %broadcast_in_dim3A_809, %broadcast_in_dim3A_810 : vector<16xi1>, vector<16xi32>
      %add3A_812 = arith.addi %gather3A_784, %select_n3A_791 : vector<16xi32>
      %add3A_813 = arith.addi %add3A_812, %select_n3A_801 : vector<16xi32>
      %add3A_814 = arith.addi %add3A_813, %select_n3A_811 : vector<16xi32>
      %gather3A_815 = tpu.vector_load_idx %arg9[%add3A_814] : memref<136xf32, #tpu.memory_space<vmem>>[vector<16xi32>], vector<16xf32>,
      %add3A_816 = arith.constant 184 : i32
      %add3A_817 = arith.addi %sub3A_26, %add3A_816 : i32
      %add3A_818 = vector.broadcast %add3A_817 : i32 to vector<16xi32>
      %add3A_819 = arith.addi %add3A_818, %iota3A : vector<16xi32>
      %gather3A_820 = tpu.vector_load_idx %arg10[%add3A_819] : memref<408xf32, #tpu.memory_space<vmem>>[vector<16xi32>], vector<16xf32>,
      %add3A_821 = arith.constant 184 : i32
      %add3A_822 = arith.addi %mul3A_28, %add3A_821 : i32
      %add3A_823 = vector.broadcast %add3A_822 : i32 to vector<16xi32>
      %add3A_824 = arith.addi %add3A_823, %iota3A : vector<16xi32>
      %add3A_825 = arith.addf %gather3A_815, %gather3A_820 : vector<16xf32>
      tpu.vector_store_idx %arg13[%add3A_824], %add3A_825 : memref<40000xf32, #tpu.memory_space<vmem>>[vector<16xi32>], vector<16xf32>,
    }
    %scan3A_11 = arith.constant 200 : i32
    %dma_start3A = arith.constant 0 : i32
    %dma_start3A_12 = tpu.memref_slice %arg7[%add3A_4, %dma_start3A] : memref<32x40000xf32, #tpu.memory_space<hbm>> -> memref<1x40000xf32, #tpu.memory_space<hbm>>
    %dma_start3A_13 = tpu.memref_squeeze %dma_start3A_12 : memref<1x40000xf32, #tpu.memory_space<hbm>> -> memref<40000xf32, #tpu.memory_space<hbm>>
    %dma_start3A_14 = arith.constant 0 : i32
    %dma_start3A_15 = tpu.memref_slice %arg7[%add3A_4, %dma_start3A_14] : memref<32x40000xf32, #tpu.memory_space<hbm>> -> memref<1x40000xf32, #tpu.memory_space<hbm>>
    %dma_start3A_16 = tpu.memref_squeeze %dma_start3A_15 : memref<1x40000xf32, #tpu.memory_space<hbm>> -> memref<40000xf32, #tpu.memory_space<hbm>>
    tpu.enqueue_dma source(%arg13 : memref<40000xf32, #tpu.memory_space<vmem>>) target(%dma_start3A_16 : memref<40000xf32, #tpu.memory_space<hbm>>) target_semaphore(%arg15 : memref<!tpu.dma_semaphore, #tpu.memory_space<semaphore_mem>>)
    %dma_wait3A = arith.constant 0 : i32
    %dma_wait3A_17 = tpu.memref_slice %arg7[%add3A_4, %dma_wait3A] : memref<32x40000xf32, #tpu.memory_space<hbm>> -> memref<1x40000xf32, #tpu.memory_space<hbm>>
    %dma_wait3A_18 = tpu.memref_squeeze %dma_wait3A_17 : memref<1x40000xf32, #tpu.memory_space<hbm>> -> memref<40000xf32, #tpu.memory_space<hbm>>
    %dma_wait3A_19 = arith.constant 0 : i32
    %dma_wait3A_20 = tpu.memref_slice %arg7[%add3A_4, %dma_wait3A_19] : memref<32x40000xf32, #tpu.memory_space<hbm>> -> memref<1x40000xf32, #tpu.memory_space<hbm>>
    %dma_wait3A_21 = tpu.memref_squeeze %dma_wait3A_20 : memref<1x40000xf32, #tpu.memory_space<hbm>> -> memref<40000xf32, #tpu.memory_space<hbm>>
    tpu.wait_dma2 semaphore(%arg15 : memref<!tpu.dma_semaphore, #tpu.memory_space<semaphore_mem>>) src(%arg13 : memref<40000xf32, #tpu.memory_space<vmem>>) dst(%dma_wait3A_21 : memref<40000xf32, #tpu.memory_space<hbm>>)
    return
  }
}

module attributes {stable_mosaic.version = 14 : i64} {
  func.func @_pos_body(%arg0: i32, %arg1: memref<1x512xf32, #tpu.memory_space<vmem>>, %arg2: memref<1x200x200xf32, #tpu.memory_space<vmem>>) attributes {dimension_semantics = [#tpu.dimension_semantics<arbitrary>], iteration_bounds = array<i64: 1>, scalar_prefetch = 0 : i64, scratch_operands = 0 : i64, tpu.core_type = #tpu.core_type<tc>, window_params = [{pipeline_mode = #tpu.pipeline_mode<synchronous>, transform_indices = @transform_0, window_bounds = array<i64: 1, 512>}, {pipeline_mode = #tpu.pipeline_mode<synchronous>, transform_indices = @transform_1, window_bounds = array<i64: 1, 200, 200>}]} {
    %iota3A = tpu.iota {dimensions = array<i32: 0>} : vector<200x200xi32>
    %iota3A_0 = tpu.iota {dimensions = array<i32: 1>} : vector<200x200xi32>
    %add3A = arith.constant 199 : i32
    %add3A_1 = vector.broadcast %add3A : i32 to vector<200x200xi32>
    %add3A_2 = arith.addi %add3A_1, %iota3A_0 : vector<200x200xi32>
    %sub3A = arith.subi %add3A_2, %iota3A : vector<200x200xi32>
    %shift_right_arithmetic3A = arith.constant 7 : i32
    %shift_right_arithmetic3A_3 = vector.broadcast %shift_right_arithmetic3A : i32 to vector<200x200xi32>
    %shift_right_arithmetic3A_4 = arith.shrsi %sub3A, %shift_right_arithmetic3A_3 : vector<200x200xi32>
    %and3A = arith.constant 127 : i32
    %and3A_5 = vector.broadcast %and3A : i32 to vector<200x200xi32>
    %and3A_6 = arith.andi %sub3A, %and3A_5 : vector<200x200xi32>
    %broadcast_in_dim3A = arith.constant 0.000000e+00 : f32
    %broadcast_in_dim3A_7 = vector.broadcast %broadcast_in_dim3A : f32 to vector<200x200xf32>
    %get3A = arith.constant 0 : index
    %get3A_8 = arith.constant 0 : index
    %get3A_9 = vector.load %arg1[%get3A, %get3A_8] : memref<1x512xf32, #tpu.memory_space<vmem>>, vector<1x128xf32>
    %broadcast_in_dim3A_10 = vector.shape_cast %get3A_9 : vector<1x128xf32> to vector<1x128xf32>
    %broadcast_in_dim3A_11 = vector.broadcast %broadcast_in_dim3A_10 : vector<1x128xf32> to vector<200x128xf32>
    %reshape3A = vector.shape_cast %and3A_6 : vector<200x200xi32> to vector<200x200x1xi32>
    %gather3A = vector.shape_cast %reshape3A : vector<200x200x1xi32> to vector<200x200xi32>
    %gather3A_12 = tpu.dynamic_gather %broadcast_in_dim3A_11[%gather3A] in [1] : vector<200x128xf32>, vector<200x200xi32> -> vector<200x200xf32>
    %eq3A = arith.constant 0 : i32
    %eq3A_13 = vector.broadcast %eq3A : i32 to vector<200x200xi32>
    %eq3A_14 = arith.cmpi eq, %shift_right_arithmetic3A_4, %eq3A_13 : vector<200x200xi32>
    %select_n3A = arith.select %eq3A_14, %gather3A_12, %broadcast_in_dim3A_7 : vector<200x200xi1>, vector<200x200xf32>
    %get3A_15 = arith.constant 0 : index
    %get3A_16 = arith.constant 128 : index
    %get3A_17 = vector.load %arg1[%get3A_15, %get3A_16] : memref<1x512xf32, #tpu.memory_space<vmem>>, vector<1x128xf32>
    %broadcast_in_dim3A_18 = vector.shape_cast %get3A_17 : vector<1x128xf32> to vector<1x128xf32>
    %broadcast_in_dim3A_19 = vector.broadcast %broadcast_in_dim3A_18 : vector<1x128xf32> to vector<200x128xf32>
    %reshape3A_20 = vector.shape_cast %and3A_6 : vector<200x200xi32> to vector<200x200x1xi32>
    %gather3A_21 = vector.shape_cast %reshape3A_20 : vector<200x200x1xi32> to vector<200x200xi32>
    %gather3A_22 = tpu.dynamic_gather %broadcast_in_dim3A_19[%gather3A_21] in [1] : vector<200x128xf32>, vector<200x200xi32> -> vector<200x200xf32>
    %eq3A_23 = arith.constant 1 : i32
    %eq3A_24 = vector.broadcast %eq3A_23 : i32 to vector<200x200xi32>
    %eq3A_25 = arith.cmpi eq, %shift_right_arithmetic3A_4, %eq3A_24 : vector<200x200xi32>
    %select_n3A_26 = arith.select %eq3A_25, %gather3A_22, %select_n3A : vector<200x200xi1>, vector<200x200xf32>
    %get3A_27 = arith.constant 0 : index
    %get3A_28 = arith.constant 256 : index
    %get3A_29 = vector.load %arg1[%get3A_27, %get3A_28] : memref<1x512xf32, #tpu.memory_space<vmem>>, vector<1x128xf32>
    %broadcast_in_dim3A_30 = vector.shape_cast %get3A_29 : vector<1x128xf32> to vector<1x128xf32>
    %broadcast_in_dim3A_31 = vector.broadcast %broadcast_in_dim3A_30 : vector<1x128xf32> to vector<200x128xf32>
    %reshape3A_32 = vector.shape_cast %and3A_6 : vector<200x200xi32> to vector<200x200x1xi32>
    %gather3A_33 = vector.shape_cast %reshape3A_32 : vector<200x200x1xi32> to vector<200x200xi32>
    %gather3A_34 = tpu.dynamic_gather %broadcast_in_dim3A_31[%gather3A_33] in [1] : vector<200x128xf32>, vector<200x200xi32> -> vector<200x200xf32>
    %eq3A_35 = arith.constant 2 : i32
    %eq3A_36 = vector.broadcast %eq3A_35 : i32 to vector<200x200xi32>
    %eq3A_37 = arith.cmpi eq, %shift_right_arithmetic3A_4, %eq3A_36 : vector<200x200xi32>
    %select_n3A_38 = arith.select %eq3A_37, %gather3A_34, %select_n3A_26 : vector<200x200xi1>, vector<200x200xf32>
    %get3A_39 = arith.constant 0 : index
    %get3A_40 = arith.constant 384 : index
    %get3A_41 = vector.load %arg1[%get3A_39, %get3A_40] : memref<1x512xf32, #tpu.memory_space<vmem>>, vector<1x128xf32>
    %broadcast_in_dim3A_42 = vector.shape_cast %get3A_41 : vector<1x128xf32> to vector<1x128xf32>
    %broadcast_in_dim3A_43 = vector.broadcast %broadcast_in_dim3A_42 : vector<1x128xf32> to vector<200x128xf32>
    %reshape3A_44 = vector.shape_cast %and3A_6 : vector<200x200xi32> to vector<200x200x1xi32>
    %gather3A_45 = vector.shape_cast %reshape3A_44 : vector<200x200x1xi32> to vector<200x200xi32>
    %gather3A_46 = tpu.dynamic_gather %broadcast_in_dim3A_43[%gather3A_45] in [1] : vector<200x128xf32>, vector<200x200xi32> -> vector<200x200xf32>
    %eq3A_47 = arith.constant 3 : i32
    %eq3A_48 = vector.broadcast %eq3A_47 : i32 to vector<200x200xi32>
    %eq3A_49 = arith.cmpi eq, %shift_right_arithmetic3A_4, %eq3A_48 : vector<200x200xi32>
    %select_n3A_50 = arith.select %eq3A_49, %gather3A_46, %select_n3A_38 : vector<200x200xi1>, vector<200x200xf32>
    %swap3A = arith.constant 0 : index
    %swap3A_51 = arith.constant 0 : index
    %swap3A_52 = arith.constant 0 : index
    %swap3A_53 = vector.load %arg2[%swap3A, %swap3A_51, %swap3A_52] : memref<1x200x200xf32, #tpu.memory_space<vmem>>, vector<1x200x200xf32>
    %swap3A_54 = vector.shape_cast %swap3A_53 : vector<1x200x200xf32> to vector<200x200xf32>
    %swap3A_55 = vector.shape_cast %select_n3A_50 : vector<200x200xf32> to vector<1x200x200xf32>
    tpu.vector_store %arg2[%swap3A, %swap3A_51, %swap3A_52], %swap3A_55 {strides = array<i32>} : memref<1x200x200xf32, #tpu.memory_space<vmem>>, vector<1x200x200xf32>,
    return
  }
  func.func @transform_0(%arg0: i32) -> (i32, i32) {
    %c0_i32 = arith.constant 0 : i32
    %c0_i32_0 = arith.constant 0 : i32
    %c0_i32_1 = arith.constant 0 : i32
    return %c0_i32, %c0_i32_0 : i32, i32
  }
  func.func @transform_1(%arg0: i32) -> (i32, i32, i32) {
    %c0_i32 = arith.constant 0 : i32
    %c0_i32_0 = arith.constant 0 : i32
    %c0_i32_1 = arith.constant 0 : i32
    %c0_i32_2 = arith.constant 0 : i32
    return %c0_i32, %c0_i32_0, %c0_i32_1 : i32, i32, i32
  }
}

module attributes {stable_mosaic.version = 14 : i64} {
  func.func @_main_body(%arg0: i32, %arg1: memref<16x1x200xi32, #tpu.memory_space<vmem>>, %arg2: memref<16x200x1xi32, #tpu.memory_space<vmem>>, %arg3: memref<1x128xf32, #tpu.memory_space<vmem>>, %arg4: memref<1x200x200xf32, #tpu.memory_space<vmem>>, %arg5: memref<16x200x200xf32, #tpu.memory_space<vmem>>) attributes {dimension_semantics = [#tpu.dimension_semantics<arbitrary>], iteration_bounds = array<i64: 62>, scalar_prefetch = 0 : i64, scratch_operands = 0 : i64, tpu.core_type = #tpu.core_type<tc>, window_params = [{transform_indices = @transform_0, window_bounds = array<i64: 16, 1, 200>}, {transform_indices = @transform_1, window_bounds = array<i64: 16, 200, 1>}, {pipeline_mode = #tpu.pipeline_mode<synchronous>, transform_indices = @transform_2, window_bounds = array<i64: 1, 128>}, {pipeline_mode = #tpu.pipeline_mode<synchronous>, transform_indices = @transform_3, window_bounds = array<i64: 1, 200, 200>}, {transform_indices = @transform_4, window_bounds = array<i64: 16, 200, 200>}]} {
    %get3A = arith.constant 0 : index
    %get3A_0 = arith.constant 0 : index
    %get3A_1 = vector.load %arg3[%get3A, %get3A_0] : memref<1x128xf32, #tpu.memory_space<vmem>>, vector<1x128xf32>
    %broadcast_in_dim3A = vector.shape_cast %get3A_1 : vector<1x128xf32> to vector<1x128xf32>
    %broadcast_in_dim3A_2 = vector.broadcast %broadcast_in_dim3A : vector<1x128xf32> to vector<200x128xf32>
    %get3A_3 = arith.constant 0 : index
    %get3A_4 = arith.constant 0 : index
    %get3A_5 = arith.constant 0 : index
    %get3A_6 = vector.load %arg4[%get3A_3, %get3A_4, %get3A_5] : memref<1x200x200xf32, #tpu.memory_space<vmem>>, vector<1x200x200xf32>
    %get3A_7 = vector.shape_cast %get3A_6 : vector<1x200x200xf32> to vector<200x200xf32>
    %get3A_8 = arith.constant 0 : index
    %get3A_9 = arith.constant 0 : index
    %get3A_10 = arith.constant 0 : index
    %get3A_11 = vector.load %arg1[%get3A_8, %get3A_9, %get3A_10] : memref<16x1x200xi32, #tpu.memory_space<vmem>>, vector<1x1x200xi32>
    %get3A_12 = vector.shape_cast %get3A_11 : vector<1x1x200xi32> to vector<1x200xi32>
    %get3A_13 = arith.constant 0 : index
    %get3A_14 = arith.constant 0 : index
    %get3A_15 = arith.constant 0 : index
    %get3A_16 = vector.load %arg2[%get3A_13, %get3A_14, %get3A_15] : memref<16x200x1xi32, #tpu.memory_space<vmem>>, vector<1x200x1xi32>
    %get3A_17 = vector.shape_cast %get3A_16 : vector<1x200x1xi32> to vector<200x1xi32>
    %sub3A = vector.broadcast %get3A_17 : vector<200x1xi32> to vector<200x200xi32>
    %sub3A_18 = vector.broadcast %get3A_12 : vector<1x200xi32> to vector<200x200xi32>
    %sub3A_19 = arith.subi %sub3A, %sub3A_18 : vector<200x200xi32>
    %convert_element_type3A = arith.sitofp %sub3A_19 : vector<200x200xi32> to vector<200x200xf32>
    %abs3A = math.absf %convert_element_type3A : vector<200x200xf32>
    %max3A = arith.constant 1.000000e+00 : f32
    %max3A_20 = vector.broadcast %max3A : f32 to vector<200x200xf32>
    %max3A_21 = arith.maximumf %abs3A, %max3A_20 : vector<200x200xf32>
    %log3A = math.log %max3A_21 : vector<200x200xf32>
    %div3A = arith.constant 3.010000e-01 : f32
    %div3A_22 = vector.broadcast %div3A : f32 to vector<200x200xf32>
    %div3A_23 = arith.divf %log3A, %div3A_22 : vector<200x200xf32>
    %convert_element_type3A_24 = arith.fptosi %div3A_23 : vector<200x200xf32> to vector<200x200xi32>
    %reshape3A = vector.shape_cast %convert_element_type3A_24 : vector<200x200xi32> to vector<200x200x1xi32>
    %gather3A = vector.shape_cast %reshape3A : vector<200x200x1xi32> to vector<200x200xi32>
    %gather3A_25 = tpu.dynamic_gather %broadcast_in_dim3A_2[%gather3A] in [1] : vector<200x128xf32>, vector<200x200xi32> -> vector<200x200xf32>
    %add3A = arith.addf %gather3A_25, %get3A_7 : vector<200x200xf32>
    %swap3A = arith.constant 0 : index
    %swap3A_26 = arith.constant 0 : index
    %swap3A_27 = arith.constant 0 : index
    %swap3A_28 = vector.load %arg5[%swap3A, %swap3A_26, %swap3A_27] : memref<16x200x200xf32, #tpu.memory_space<vmem>>, vector<1x200x200xf32>
    %swap3A_29 = vector.shape_cast %swap3A_28 : vector<1x200x200xf32> to vector<200x200xf32>
    %swap3A_30 = vector.shape_cast %add3A : vector<200x200xf32> to vector<1x200x200xf32>
    tpu.vector_store %arg5[%swap3A, %swap3A_26, %swap3A_27], %swap3A_30 {strides = array<i32>} : memref<16x200x200xf32, #tpu.memory_space<vmem>>, vector<1x200x200xf32>,
    %get3A_31 = arith.constant 1 : index
    %get3A_32 = arith.constant 0 : index
    %get3A_33 = arith.constant 0 : index
    %get3A_34 = vector.load %arg1[%get3A_31, %get3A_32, %get3A_33] : memref<16x1x200xi32, #tpu.memory_space<vmem>>, vector<1x1x200xi32>
    %get3A_35 = vector.shape_cast %get3A_34 : vector<1x1x200xi32> to vector<1x200xi32>
    %get3A_36 = arith.constant 1 : index
    %get3A_37 = arith.constant 0 : index
    %get3A_38 = arith.constant 0 : index
    %get3A_39 = vector.load %arg2[%get3A_36, %get3A_37, %get3A_38] : memref<16x200x1xi32, #tpu.memory_space<vmem>>, vector<1x200x1xi32>
    %get3A_40 = vector.shape_cast %get3A_39 : vector<1x200x1xi32> to vector<200x1xi32>
    %sub3A_41 = vector.broadcast %get3A_40 : vector<200x1xi32> to vector<200x200xi32>
    %sub3A_42 = vector.broadcast %get3A_35 : vector<1x200xi32> to vector<200x200xi32>
    %sub3A_43 = arith.subi %sub3A_41, %sub3A_42 : vector<200x200xi32>
    %convert_element_type3A_44 = arith.sitofp %sub3A_43 : vector<200x200xi32> to vector<200x200xf32>
    %abs3A_45 = math.absf %convert_element_type3A_44 : vector<200x200xf32>
    %max3A_46 = arith.constant 1.000000e+00 : f32
    %max3A_47 = vector.broadcast %max3A_46 : f32 to vector<200x200xf32>
    %max3A_48 = arith.maximumf %abs3A_45, %max3A_47 : vector<200x200xf32>
    %log3A_49 = math.log %max3A_48 : vector<200x200xf32>
    %div3A_50 = arith.constant 3.010000e-01 : f32
    %div3A_51 = vector.broadcast %div3A_50 : f32 to vector<200x200xf32>
    %div3A_52 = arith.divf %log3A_49, %div3A_51 : vector<200x200xf32>
    %convert_element_type3A_53 = arith.fptosi %div3A_52 : vector<200x200xf32> to vector<200x200xi32>
    %reshape3A_54 = vector.shape_cast %convert_element_type3A_53 : vector<200x200xi32> to vector<200x200x1xi32>
    %gather3A_55 = vector.shape_cast %reshape3A_54 : vector<200x200x1xi32> to vector<200x200xi32>
    %gather3A_56 = tpu.dynamic_gather %broadcast_in_dim3A_2[%gather3A_55] in [1] : vector<200x128xf32>, vector<200x200xi32> -> vector<200x200xf32>
    %add3A_57 = arith.addf %gather3A_56, %get3A_7 : vector<200x200xf32>
    %swap3A_58 = arith.constant 1 : index
    %swap3A_59 = arith.constant 0 : index
    %swap3A_60 = arith.constant 0 : index
    %swap3A_61 = vector.load %arg5[%swap3A_58, %swap3A_59, %swap3A_60] : memref<16x200x200xf32, #tpu.memory_space<vmem>>, vector<1x200x200xf32>
    %swap3A_62 = vector.shape_cast %swap3A_61 : vector<1x200x200xf32> to vector<200x200xf32>
    %swap3A_63 = vector.shape_cast %add3A_57 : vector<200x200xf32> to vector<1x200x200xf32>
    tpu.vector_store %arg5[%swap3A_58, %swap3A_59, %swap3A_60], %swap3A_63 {strides = array<i32>} : memref<16x200x200xf32, #tpu.memory_space<vmem>>, vector<1x200x200xf32>,
    %get3A_64 = arith.constant 2 : index
    %get3A_65 = arith.constant 0 : index
    %get3A_66 = arith.constant 0 : index
    %get3A_67 = vector.load %arg1[%get3A_64, %get3A_65, %get3A_66] : memref<16x1x200xi32, #tpu.memory_space<vmem>>, vector<1x1x200xi32>
    %get3A_68 = vector.shape_cast %get3A_67 : vector<1x1x200xi32> to vector<1x200xi32>
    %get3A_69 = arith.constant 2 : index
    %get3A_70 = arith.constant 0 : index
    %get3A_71 = arith.constant 0 : index
    %get3A_72 = vector.load %arg2[%get3A_69, %get3A_70, %get3A_71] : memref<16x200x1xi32, #tpu.memory_space<vmem>>, vector<1x200x1xi32>
    %get3A_73 = vector.shape_cast %get3A_72 : vector<1x200x1xi32> to vector<200x1xi32>
    %sub3A_74 = vector.broadcast %get3A_73 : vector<200x1xi32> to vector<200x200xi32>
    %sub3A_75 = vector.broadcast %get3A_68 : vector<1x200xi32> to vector<200x200xi32>
    %sub3A_76 = arith.subi %sub3A_74, %sub3A_75 : vector<200x200xi32>
    %convert_element_type3A_77 = arith.sitofp %sub3A_76 : vector<200x200xi32> to vector<200x200xf32>
    %abs3A_78 = math.absf %convert_element_type3A_77 : vector<200x200xf32>
    %max3A_79 = arith.constant 1.000000e+00 : f32
    %max3A_80 = vector.broadcast %max3A_79 : f32 to vector<200x200xf32>
    %max3A_81 = arith.maximumf %abs3A_78, %max3A_80 : vector<200x200xf32>
    %log3A_82 = math.log %max3A_81 : vector<200x200xf32>
    %div3A_83 = arith.constant 3.010000e-01 : f32
    %div3A_84 = vector.broadcast %div3A_83 : f32 to vector<200x200xf32>
    %div3A_85 = arith.divf %log3A_82, %div3A_84 : vector<200x200xf32>
    %convert_element_type3A_86 = arith.fptosi %div3A_85 : vector<200x200xf32> to vector<200x200xi32>
    %reshape3A_87 = vector.shape_cast %convert_element_type3A_86 : vector<200x200xi32> to vector<200x200x1xi32>
    %gather3A_88 = vector.shape_cast %reshape3A_87 : vector<200x200x1xi32> to vector<200x200xi32>
    %gather3A_89 = tpu.dynamic_gather %broadcast_in_dim3A_2[%gather3A_88] in [1] : vector<200x128xf32>, vector<200x200xi32> -> vector<200x200xf32>
    %add3A_90 = arith.addf %gather3A_89, %get3A_7 : vector<200x200xf32>
    %swap3A_91 = arith.constant 2 : index
    %swap3A_92 = arith.constant 0 : index
    %swap3A_93 = arith.constant 0 : index
    %swap3A_94 = vector.load %arg5[%swap3A_91, %swap3A_92, %swap3A_93] : memref<16x200x200xf32, #tpu.memory_space<vmem>>, vector<1x200x200xf32>
    %swap3A_95 = vector.shape_cast %swap3A_94 : vector<1x200x200xf32> to vector<200x200xf32>
    %swap3A_96 = vector.shape_cast %add3A_90 : vector<200x200xf32> to vector<1x200x200xf32>
    tpu.vector_store %arg5[%swap3A_91, %swap3A_92, %swap3A_93], %swap3A_96 {strides = array<i32>} : memref<16x200x200xf32, #tpu.memory_space<vmem>>, vector<1x200x200xf32>,
    %get3A_97 = arith.constant 3 : index
    %get3A_98 = arith.constant 0 : index
    %get3A_99 = arith.constant 0 : index
    %get3A_100 = vector.load %arg1[%get3A_97, %get3A_98, %get3A_99] : memref<16x1x200xi32, #tpu.memory_space<vmem>>, vector<1x1x200xi32>
    %get3A_101 = vector.shape_cast %get3A_100 : vector<1x1x200xi32> to vector<1x200xi32>
    %get3A_102 = arith.constant 3 : index
    %get3A_103 = arith.constant 0 : index
    %get3A_104 = arith.constant 0 : index
    %get3A_105 = vector.load %arg2[%get3A_102, %get3A_103, %get3A_104] : memref<16x200x1xi32, #tpu.memory_space<vmem>>, vector<1x200x1xi32>
    %get3A_106 = vector.shape_cast %get3A_105 : vector<1x200x1xi32> to vector<200x1xi32>
    %sub3A_107 = vector.broadcast %get3A_106 : vector<200x1xi32> to vector<200x200xi32>
    %sub3A_108 = vector.broadcast %get3A_101 : vector<1x200xi32> to vector<200x200xi32>
    %sub3A_109 = arith.subi %sub3A_107, %sub3A_108 : vector<200x200xi32>
    %convert_element_type3A_110 = arith.sitofp %sub3A_109 : vector<200x200xi32> to vector<200x200xf32>
    %abs3A_111 = math.absf %convert_element_type3A_110 : vector<200x200xf32>
    %max3A_112 = arith.constant 1.000000e+00 : f32
    %max3A_113 = vector.broadcast %max3A_112 : f32 to vector<200x200xf32>
    %max3A_114 = arith.maximumf %abs3A_111, %max3A_113 : vector<200x200xf32>
    %log3A_115 = math.log %max3A_114 : vector<200x200xf32>
    %div3A_116 = arith.constant 3.010000e-01 : f32
    %div3A_117 = vector.broadcast %div3A_116 : f32 to vector<200x200xf32>
    %div3A_118 = arith.divf %log3A_115, %div3A_117 : vector<200x200xf32>
    %convert_element_type3A_119 = arith.fptosi %div3A_118 : vector<200x200xf32> to vector<200x200xi32>
    %reshape3A_120 = vector.shape_cast %convert_element_type3A_119 : vector<200x200xi32> to vector<200x200x1xi32>
    %gather3A_121 = vector.shape_cast %reshape3A_120 : vector<200x200x1xi32> to vector<200x200xi32>
    %gather3A_122 = tpu.dynamic_gather %broadcast_in_dim3A_2[%gather3A_121] in [1] : vector<200x128xf32>, vector<200x200xi32> -> vector<200x200xf32>
    %add3A_123 = arith.addf %gather3A_122, %get3A_7 : vector<200x200xf32>
    %swap3A_124 = arith.constant 3 : index
    %swap3A_125 = arith.constant 0 : index
    %swap3A_126 = arith.constant 0 : index
    %swap3A_127 = vector.load %arg5[%swap3A_124, %swap3A_125, %swap3A_126] : memref<16x200x200xf32, #tpu.memory_space<vmem>>, vector<1x200x200xf32>
    %swap3A_128 = vector.shape_cast %swap3A_127 : vector<1x200x200xf32> to vector<200x200xf32>
    %swap3A_129 = vector.shape_cast %add3A_123 : vector<200x200xf32> to vector<1x200x200xf32>
    tpu.vector_store %arg5[%swap3A_124, %swap3A_125, %swap3A_126], %swap3A_129 {strides = array<i32>} : memref<16x200x200xf32, #tpu.memory_space<vmem>>, vector<1x200x200xf32>,
    %get3A_130 = arith.constant 4 : index
    %get3A_131 = arith.constant 0 : index
    %get3A_132 = arith.constant 0 : index
    %get3A_133 = vector.load %arg1[%get3A_130, %get3A_131, %get3A_132] : memref<16x1x200xi32, #tpu.memory_space<vmem>>, vector<1x1x200xi32>
    %get3A_134 = vector.shape_cast %get3A_133 : vector<1x1x200xi32> to vector<1x200xi32>
    %get3A_135 = arith.constant 4 : index
    %get3A_136 = arith.constant 0 : index
    %get3A_137 = arith.constant 0 : index
    %get3A_138 = vector.load %arg2[%get3A_135, %get3A_136, %get3A_137] : memref<16x200x1xi32, #tpu.memory_space<vmem>>, vector<1x200x1xi32>
    %get3A_139 = vector.shape_cast %get3A_138 : vector<1x200x1xi32> to vector<200x1xi32>
    %sub3A_140 = vector.broadcast %get3A_139 : vector<200x1xi32> to vector<200x200xi32>
    %sub3A_141 = vector.broadcast %get3A_134 : vector<1x200xi32> to vector<200x200xi32>
    %sub3A_142 = arith.subi %sub3A_140, %sub3A_141 : vector<200x200xi32>
    %convert_element_type3A_143 = arith.sitofp %sub3A_142 : vector<200x200xi32> to vector<200x200xf32>
    %abs3A_144 = math.absf %convert_element_type3A_143 : vector<200x200xf32>
    %max3A_145 = arith.constant 1.000000e+00 : f32
    %max3A_146 = vector.broadcast %max3A_145 : f32 to vector<200x200xf32>
    %max3A_147 = arith.maximumf %abs3A_144, %max3A_146 : vector<200x200xf32>
    %log3A_148 = math.log %max3A_147 : vector<200x200xf32>
    %div3A_149 = arith.constant 3.010000e-01 : f32
    %div3A_150 = vector.broadcast %div3A_149 : f32 to vector<200x200xf32>
    %div3A_151 = arith.divf %log3A_148, %div3A_150 : vector<200x200xf32>
    %convert_element_type3A_152 = arith.fptosi %div3A_151 : vector<200x200xf32> to vector<200x200xi32>
    %reshape3A_153 = vector.shape_cast %convert_element_type3A_152 : vector<200x200xi32> to vector<200x200x1xi32>
    %gather3A_154 = vector.shape_cast %reshape3A_153 : vector<200x200x1xi32> to vector<200x200xi32>
    %gather3A_155 = tpu.dynamic_gather %broadcast_in_dim3A_2[%gather3A_154] in [1] : vector<200x128xf32>, vector<200x200xi32> -> vector<200x200xf32>
    %add3A_156 = arith.addf %gather3A_155, %get3A_7 : vector<200x200xf32>
    %swap3A_157 = arith.constant 4 : index
    %swap3A_158 = arith.constant 0 : index
    %swap3A_159 = arith.constant 0 : index
    %swap3A_160 = vector.load %arg5[%swap3A_157, %swap3A_158, %swap3A_159] : memref<16x200x200xf32, #tpu.memory_space<vmem>>, vector<1x200x200xf32>
    %swap3A_161 = vector.shape_cast %swap3A_160 : vector<1x200x200xf32> to vector<200x200xf32>
    %swap3A_162 = vector.shape_cast %add3A_156 : vector<200x200xf32> to vector<1x200x200xf32>
    tpu.vector_store %arg5[%swap3A_157, %swap3A_158, %swap3A_159], %swap3A_162 {strides = array<i32>} : memref<16x200x200xf32, #tpu.memory_space<vmem>>, vector<1x200x200xf32>,
    %get3A_163 = arith.constant 5 : index
    %get3A_164 = arith.constant 0 : index
    %get3A_165 = arith.constant 0 : index
    %get3A_166 = vector.load %arg1[%get3A_163, %get3A_164, %get3A_165] : memref<16x1x200xi32, #tpu.memory_space<vmem>>, vector<1x1x200xi32>
    %get3A_167 = vector.shape_cast %get3A_166 : vector<1x1x200xi32> to vector<1x200xi32>
    %get3A_168 = arith.constant 5 : index
    %get3A_169 = arith.constant 0 : index
    %get3A_170 = arith.constant 0 : index
    %get3A_171 = vector.load %arg2[%get3A_168, %get3A_169, %get3A_170] : memref<16x200x1xi32, #tpu.memory_space<vmem>>, vector<1x200x1xi32>
    %get3A_172 = vector.shape_cast %get3A_171 : vector<1x200x1xi32> to vector<200x1xi32>
    %sub3A_173 = vector.broadcast %get3A_172 : vector<200x1xi32> to vector<200x200xi32>
    %sub3A_174 = vector.broadcast %get3A_167 : vector<1x200xi32> to vector<200x200xi32>
    %sub3A_175 = arith.subi %sub3A_173, %sub3A_174 : vector<200x200xi32>
    %convert_element_type3A_176 = arith.sitofp %sub3A_175 : vector<200x200xi32> to vector<200x200xf32>
    %abs3A_177 = math.absf %convert_element_type3A_176 : vector<200x200xf32>
    %max3A_178 = arith.constant 1.000000e+00 : f32
    %max3A_179 = vector.broadcast %max3A_178 : f32 to vector<200x200xf32>
    %max3A_180 = arith.maximumf %abs3A_177, %max3A_179 : vector<200x200xf32>
    %log3A_181 = math.log %max3A_180 : vector<200x200xf32>
    %div3A_182 = arith.constant 3.010000e-01 : f32
    %div3A_183 = vector.broadcast %div3A_182 : f32 to vector<200x200xf32>
    %div3A_184 = arith.divf %log3A_181, %div3A_183 : vector<200x200xf32>
    %convert_element_type3A_185 = arith.fptosi %div3A_184 : vector<200x200xf32> to vector<200x200xi32>
    %reshape3A_186 = vector.shape_cast %convert_element_type3A_185 : vector<200x200xi32> to vector<200x200x1xi32>
    %gather3A_187 = vector.shape_cast %reshape3A_186 : vector<200x200x1xi32> to vector<200x200xi32>
    %gather3A_188 = tpu.dynamic_gather %broadcast_in_dim3A_2[%gather3A_187] in [1] : vector<200x128xf32>, vector<200x200xi32> -> vector<200x200xf32>
    %add3A_189 = arith.addf %gather3A_188, %get3A_7 : vector<200x200xf32>
    %swap3A_190 = arith.constant 5 : index
    %swap3A_191 = arith.constant 0 : index
    %swap3A_192 = arith.constant 0 : index
    %swap3A_193 = vector.load %arg5[%swap3A_190, %swap3A_191, %swap3A_192] : memref<16x200x200xf32, #tpu.memory_space<vmem>>, vector<1x200x200xf32>
    %swap3A_194 = vector.shape_cast %swap3A_193 : vector<1x200x200xf32> to vector<200x200xf32>
    %swap3A_195 = vector.shape_cast %add3A_189 : vector<200x200xf32> to vector<1x200x200xf32>
    tpu.vector_store %arg5[%swap3A_190, %swap3A_191, %swap3A_192], %swap3A_195 {strides = array<i32>} : memref<16x200x200xf32, #tpu.memory_space<vmem>>, vector<1x200x200xf32>,
    %get3A_196 = arith.constant 6 : index
    %get3A_197 = arith.constant 0 : index
    %get3A_198 = arith.constant 0 : index
    %get3A_199 = vector.load %arg1[%get3A_196, %get3A_197, %get3A_198] : memref<16x1x200xi32, #tpu.memory_space<vmem>>, vector<1x1x200xi32>
    %get3A_200 = vector.shape_cast %get3A_199 : vector<1x1x200xi32> to vector<1x200xi32>
    %get3A_201 = arith.constant 6 : index
    %get3A_202 = arith.constant 0 : index
    %get3A_203 = arith.constant 0 : index
    %get3A_204 = vector.load %arg2[%get3A_201, %get3A_202, %get3A_203] : memref<16x200x1xi32, #tpu.memory_space<vmem>>, vector<1x200x1xi32>
    %get3A_205 = vector.shape_cast %get3A_204 : vector<1x200x1xi32> to vector<200x1xi32>
    %sub3A_206 = vector.broadcast %get3A_205 : vector<200x1xi32> to vector<200x200xi32>
    %sub3A_207 = vector.broadcast %get3A_200 : vector<1x200xi32> to vector<200x200xi32>
    %sub3A_208 = arith.subi %sub3A_206, %sub3A_207 : vector<200x200xi32>
    %convert_element_type3A_209 = arith.sitofp %sub3A_208 : vector<200x200xi32> to vector<200x200xf32>
    %abs3A_210 = math.absf %convert_element_type3A_209 : vector<200x200xf32>
    %max3A_211 = arith.constant 1.000000e+00 : f32
    %max3A_212 = vector.broadcast %max3A_211 : f32 to vector<200x200xf32>
    %max3A_213 = arith.maximumf %abs3A_210, %max3A_212 : vector<200x200xf32>
    %log3A_214 = math.log %max3A_213 : vector<200x200xf32>
    %div3A_215 = arith.constant 3.010000e-01 : f32
    %div3A_216 = vector.broadcast %div3A_215 : f32 to vector<200x200xf32>
    %div3A_217 = arith.divf %log3A_214, %div3A_216 : vector<200x200xf32>
    %convert_element_type3A_218 = arith.fptosi %div3A_217 : vector<200x200xf32> to vector<200x200xi32>
    %reshape3A_219 = vector.shape_cast %convert_element_type3A_218 : vector<200x200xi32> to vector<200x200x1xi32>
    %gather3A_220 = vector.shape_cast %reshape3A_219 : vector<200x200x1xi32> to vector<200x200xi32>
    %gather3A_221 = tpu.dynamic_gather %broadcast_in_dim3A_2[%gather3A_220] in [1] : vector<200x128xf32>, vector<200x200xi32> -> vector<200x200xf32>
    %add3A_222 = arith.addf %gather3A_221, %get3A_7 : vector<200x200xf32>
    %swap3A_223 = arith.constant 6 : index
    %swap3A_224 = arith.constant 0 : index
    %swap3A_225 = arith.constant 0 : index
    %swap3A_226 = vector.load %arg5[%swap3A_223, %swap3A_224, %swap3A_225] : memref<16x200x200xf32, #tpu.memory_space<vmem>>, vector<1x200x200xf32>
    %swap3A_227 = vector.shape_cast %swap3A_226 : vector<1x200x200xf32> to vector<200x200xf32>
    %swap3A_228 = vector.shape_cast %add3A_222 : vector<200x200xf32> to vector<1x200x200xf32>
    tpu.vector_store %arg5[%swap3A_223, %swap3A_224, %swap3A_225], %swap3A_228 {strides = array<i32>} : memref<16x200x200xf32, #tpu.memory_space<vmem>>, vector<1x200x200xf32>,
    %get3A_229 = arith.constant 7 : index
    %get3A_230 = arith.constant 0 : index
    %get3A_231 = arith.constant 0 : index
    %get3A_232 = vector.load %arg1[%get3A_229, %get3A_230, %get3A_231] : memref<16x1x200xi32, #tpu.memory_space<vmem>>, vector<1x1x200xi32>
    %get3A_233 = vector.shape_cast %get3A_232 : vector<1x1x200xi32> to vector<1x200xi32>
    %get3A_234 = arith.constant 7 : index
    %get3A_235 = arith.constant 0 : index
    %get3A_236 = arith.constant 0 : index
    %get3A_237 = vector.load %arg2[%get3A_234, %get3A_235, %get3A_236] : memref<16x200x1xi32, #tpu.memory_space<vmem>>, vector<1x200x1xi32>
    %get3A_238 = vector.shape_cast %get3A_237 : vector<1x200x1xi32> to vector<200x1xi32>
    %sub3A_239 = vector.broadcast %get3A_238 : vector<200x1xi32> to vector<200x200xi32>
    %sub3A_240 = vector.broadcast %get3A_233 : vector<1x200xi32> to vector<200x200xi32>
    %sub3A_241 = arith.subi %sub3A_239, %sub3A_240 : vector<200x200xi32>
    %convert_element_type3A_242 = arith.sitofp %sub3A_241 : vector<200x200xi32> to vector<200x200xf32>
    %abs3A_243 = math.absf %convert_element_type3A_242 : vector<200x200xf32>
    %max3A_244 = arith.constant 1.000000e+00 : f32
    %max3A_245 = vector.broadcast %max3A_244 : f32 to vector<200x200xf32>
    %max3A_246 = arith.maximumf %abs3A_243, %max3A_245 : vector<200x200xf32>
    %log3A_247 = math.log %max3A_246 : vector<200x200xf32>
    %div3A_248 = arith.constant 3.010000e-01 : f32
    %div3A_249 = vector.broadcast %div3A_248 : f32 to vector<200x200xf32>
    %div3A_250 = arith.divf %log3A_247, %div3A_249 : vector<200x200xf32>
    %convert_element_type3A_251 = arith.fptosi %div3A_250 : vector<200x200xf32> to vector<200x200xi32>
    %reshape3A_252 = vector.shape_cast %convert_element_type3A_251 : vector<200x200xi32> to vector<200x200x1xi32>
    %gather3A_253 = vector.shape_cast %reshape3A_252 : vector<200x200x1xi32> to vector<200x200xi32>
    %gather3A_254 = tpu.dynamic_gather %broadcast_in_dim3A_2[%gather3A_253] in [1] : vector<200x128xf32>, vector<200x200xi32> -> vector<200x200xf32>
    %add3A_255 = arith.addf %gather3A_254, %get3A_7 : vector<200x200xf32>
    %swap3A_256 = arith.constant 7 : index
    %swap3A_257 = arith.constant 0 : index
    %swap3A_258 = arith.constant 0 : index
    %swap3A_259 = vector.load %arg5[%swap3A_256, %swap3A_257, %swap3A_258] : memref<16x200x200xf32, #tpu.memory_space<vmem>>, vector<1x200x200xf32>
    %swap3A_260 = vector.shape_cast %swap3A_259 : vector<1x200x200xf32> to vector<200x200xf32>
    %swap3A_261 = vector.shape_cast %add3A_255 : vector<200x200xf32> to vector<1x200x200xf32>
    tpu.vector_store %arg5[%swap3A_256, %swap3A_257, %swap3A_258], %swap3A_261 {strides = array<i32>} : memref<16x200x200xf32, #tpu.memory_space<vmem>>, vector<1x200x200xf32>,
    %get3A_262 = arith.constant 8 : index
    %get3A_263 = arith.constant 0 : index
    %get3A_264 = arith.constant 0 : index
    %get3A_265 = vector.load %arg1[%get3A_262, %get3A_263, %get3A_264] : memref<16x1x200xi32, #tpu.memory_space<vmem>>, vector<1x1x200xi32>
    %get3A_266 = vector.shape_cast %get3A_265 : vector<1x1x200xi32> to vector<1x200xi32>
    %get3A_267 = arith.constant 8 : index
    %get3A_268 = arith.constant 0 : index
    %get3A_269 = arith.constant 0 : index
    %get3A_270 = vector.load %arg2[%get3A_267, %get3A_268, %get3A_269] : memref<16x200x1xi32, #tpu.memory_space<vmem>>, vector<1x200x1xi32>
    %get3A_271 = vector.shape_cast %get3A_270 : vector<1x200x1xi32> to vector<200x1xi32>
    %sub3A_272 = vector.broadcast %get3A_271 : vector<200x1xi32> to vector<200x200xi32>
    %sub3A_273 = vector.broadcast %get3A_266 : vector<1x200xi32> to vector<200x200xi32>
    %sub3A_274 = arith.subi %sub3A_272, %sub3A_273 : vector<200x200xi32>
    %convert_element_type3A_275 = arith.sitofp %sub3A_274 : vector<200x200xi32> to vector<200x200xf32>
    %abs3A_276 = math.absf %convert_element_type3A_275 : vector<200x200xf32>
    %max3A_277 = arith.constant 1.000000e+00 : f32
    %max3A_278 = vector.broadcast %max3A_277 : f32 to vector<200x200xf32>
    %max3A_279 = arith.maximumf %abs3A_276, %max3A_278 : vector<200x200xf32>
    %log3A_280 = math.log %max3A_279 : vector<200x200xf32>
    %div3A_281 = arith.constant 3.010000e-01 : f32
    %div3A_282 = vector.broadcast %div3A_281 : f32 to vector<200x200xf32>
    %div3A_283 = arith.divf %log3A_280, %div3A_282 : vector<200x200xf32>
    %convert_element_type3A_284 = arith.fptosi %div3A_283 : vector<200x200xf32> to vector<200x200xi32>
    %reshape3A_285 = vector.shape_cast %convert_element_type3A_284 : vector<200x200xi32> to vector<200x200x1xi32>
    %gather3A_286 = vector.shape_cast %reshape3A_285 : vector<200x200x1xi32> to vector<200x200xi32>
    %gather3A_287 = tpu.dynamic_gather %broadcast_in_dim3A_2[%gather3A_286] in [1] : vector<200x128xf32>, vector<200x200xi32> -> vector<200x200xf32>
    %add3A_288 = arith.addf %gather3A_287, %get3A_7 : vector<200x200xf32>
    %swap3A_289 = arith.constant 8 : index
    %swap3A_290 = arith.constant 0 : index
    %swap3A_291 = arith.constant 0 : index
    %swap3A_292 = vector.load %arg5[%swap3A_289, %swap3A_290, %swap3A_291] : memref<16x200x200xf32, #tpu.memory_space<vmem>>, vector<1x200x200xf32>
    %swap3A_293 = vector.shape_cast %swap3A_292 : vector<1x200x200xf32> to vector<200x200xf32>
    %swap3A_294 = vector.shape_cast %add3A_288 : vector<200x200xf32> to vector<1x200x200xf32>
    tpu.vector_store %arg5[%swap3A_289, %swap3A_290, %swap3A_291], %swap3A_294 {strides = array<i32>} : memref<16x200x200xf32, #tpu.memory_space<vmem>>, vector<1x200x200xf32>,
    %get3A_295 = arith.constant 9 : index
    %get3A_296 = arith.constant 0 : index
    %get3A_297 = arith.constant 0 : index
    %get3A_298 = vector.load %arg1[%get3A_295, %get3A_296, %get3A_297] : memref<16x1x200xi32, #tpu.memory_space<vmem>>, vector<1x1x200xi32>
    %get3A_299 = vector.shape_cast %get3A_298 : vector<1x1x200xi32> to vector<1x200xi32>
    %get3A_300 = arith.constant 9 : index
    %get3A_301 = arith.constant 0 : index
    %get3A_302 = arith.constant 0 : index
    %get3A_303 = vector.load %arg2[%get3A_300, %get3A_301, %get3A_302] : memref<16x200x1xi32, #tpu.memory_space<vmem>>, vector<1x200x1xi32>
    %get3A_304 = vector.shape_cast %get3A_303 : vector<1x200x1xi32> to vector<200x1xi32>
    %sub3A_305 = vector.broadcast %get3A_304 : vector<200x1xi32> to vector<200x200xi32>
    %sub3A_306 = vector.broadcast %get3A_299 : vector<1x200xi32> to vector<200x200xi32>
    %sub3A_307 = arith.subi %sub3A_305, %sub3A_306 : vector<200x200xi32>
    %convert_element_type3A_308 = arith.sitofp %sub3A_307 : vector<200x200xi32> to vector<200x200xf32>
    %abs3A_309 = math.absf %convert_element_type3A_308 : vector<200x200xf32>
    %max3A_310 = arith.constant 1.000000e+00 : f32
    %max3A_311 = vector.broadcast %max3A_310 : f32 to vector<200x200xf32>
    %max3A_312 = arith.maximumf %abs3A_309, %max3A_311 : vector<200x200xf32>
    %log3A_313 = math.log %max3A_312 : vector<200x200xf32>
    %div3A_314 = arith.constant 3.010000e-01 : f32
    %div3A_315 = vector.broadcast %div3A_314 : f32 to vector<200x200xf32>
    %div3A_316 = arith.divf %log3A_313, %div3A_315 : vector<200x200xf32>
    %convert_element_type3A_317 = arith.fptosi %div3A_316 : vector<200x200xf32> to vector<200x200xi32>
    %reshape3A_318 = vector.shape_cast %convert_element_type3A_317 : vector<200x200xi32> to vector<200x200x1xi32>
    %gather3A_319 = vector.shape_cast %reshape3A_318 : vector<200x200x1xi32> to vector<200x200xi32>
    %gather3A_320 = tpu.dynamic_gather %broadcast_in_dim3A_2[%gather3A_319] in [1] : vector<200x128xf32>, vector<200x200xi32> -> vector<200x200xf32>
    %add3A_321 = arith.addf %gather3A_320, %get3A_7 : vector<200x200xf32>
    %swap3A_322 = arith.constant 9 : index
    %swap3A_323 = arith.constant 0 : index
    %swap3A_324 = arith.constant 0 : index
    %swap3A_325 = vector.load %arg5[%swap3A_322, %swap3A_323, %swap3A_324] : memref<16x200x200xf32, #tpu.memory_space<vmem>>, vector<1x200x200xf32>
    %swap3A_326 = vector.shape_cast %swap3A_325 : vector<1x200x200xf32> to vector<200x200xf32>
    %swap3A_327 = vector.shape_cast %add3A_321 : vector<200x200xf32> to vector<1x200x200xf32>
    tpu.vector_store %arg5[%swap3A_322, %swap3A_323, %swap3A_324], %swap3A_327 {strides = array<i32>} : memref<16x200x200xf32, #tpu.memory_space<vmem>>, vector<1x200x200xf32>,
    %get3A_328 = arith.constant 10 : index
    %get3A_329 = arith.constant 0 : index
    %get3A_330 = arith.constant 0 : index
    %get3A_331 = vector.load %arg1[%get3A_328, %get3A_329, %get3A_330] : memref<16x1x200xi32, #tpu.memory_space<vmem>>, vector<1x1x200xi32>
    %get3A_332 = vector.shape_cast %get3A_331 : vector<1x1x200xi32> to vector<1x200xi32>
    %get3A_333 = arith.constant 10 : index
    %get3A_334 = arith.constant 0 : index
    %get3A_335 = arith.constant 0 : index
    %get3A_336 = vector.load %arg2[%get3A_333, %get3A_334, %get3A_335] : memref<16x200x1xi32, #tpu.memory_space<vmem>>, vector<1x200x1xi32>
    %get3A_337 = vector.shape_cast %get3A_336 : vector<1x200x1xi32> to vector<200x1xi32>
    %sub3A_338 = vector.broadcast %get3A_337 : vector<200x1xi32> to vector<200x200xi32>
    %sub3A_339 = vector.broadcast %get3A_332 : vector<1x200xi32> to vector<200x200xi32>
    %sub3A_340 = arith.subi %sub3A_338, %sub3A_339 : vector<200x200xi32>
    %convert_element_type3A_341 = arith.sitofp %sub3A_340 : vector<200x200xi32> to vector<200x200xf32>
    %abs3A_342 = math.absf %convert_element_type3A_341 : vector<200x200xf32>
    %max3A_343 = arith.constant 1.000000e+00 : f32
    %max3A_344 = vector.broadcast %max3A_343 : f32 to vector<200x200xf32>
    %max3A_345 = arith.maximumf %abs3A_342, %max3A_344 : vector<200x200xf32>
    %log3A_346 = math.log %max3A_345 : vector<200x200xf32>
    %div3A_347 = arith.constant 3.010000e-01 : f32
    %div3A_348 = vector.broadcast %div3A_347 : f32 to vector<200x200xf32>
    %div3A_349 = arith.divf %log3A_346, %div3A_348 : vector<200x200xf32>
    %convert_element_type3A_350 = arith.fptosi %div3A_349 : vector<200x200xf32> to vector<200x200xi32>
    %reshape3A_351 = vector.shape_cast %convert_element_type3A_350 : vector<200x200xi32> to vector<200x200x1xi32>
    %gather3A_352 = vector.shape_cast %reshape3A_351 : vector<200x200x1xi32> to vector<200x200xi32>
    %gather3A_353 = tpu.dynamic_gather %broadcast_in_dim3A_2[%gather3A_352] in [1] : vector<200x128xf32>, vector<200x200xi32> -> vector<200x200xf32>
    %add3A_354 = arith.addf %gather3A_353, %get3A_7 : vector<200x200xf32>
    %swap3A_355 = arith.constant 10 : index
    %swap3A_356 = arith.constant 0 : index
    %swap3A_357 = arith.constant 0 : index
    %swap3A_358 = vector.load %arg5[%swap3A_355, %swap3A_356, %swap3A_357] : memref<16x200x200xf32, #tpu.memory_space<vmem>>, vector<1x200x200xf32>
    %swap3A_359 = vector.shape_cast %swap3A_358 : vector<1x200x200xf32> to vector<200x200xf32>
    %swap3A_360 = vector.shape_cast %add3A_354 : vector<200x200xf32> to vector<1x200x200xf32>
    tpu.vector_store %arg5[%swap3A_355, %swap3A_356, %swap3A_357], %swap3A_360 {strides = array<i32>} : memref<16x200x200xf32, #tpu.memory_space<vmem>>, vector<1x200x200xf32>,
    %get3A_361 = arith.constant 11 : index
    %get3A_362 = arith.constant 0 : index
    %get3A_363 = arith.constant 0 : index
    %get3A_364 = vector.load %arg1[%get3A_361, %get3A_362, %get3A_363] : memref<16x1x200xi32, #tpu.memory_space<vmem>>, vector<1x1x200xi32>
    %get3A_365 = vector.shape_cast %get3A_364 : vector<1x1x200xi32> to vector<1x200xi32>
    %get3A_366 = arith.constant 11 : index
    %get3A_367 = arith.constant 0 : index
    %get3A_368 = arith.constant 0 : index
    %get3A_369 = vector.load %arg2[%get3A_366, %get3A_367, %get3A_368] : memref<16x200x1xi32, #tpu.memory_space<vmem>>, vector<1x200x1xi32>
    %get3A_370 = vector.shape_cast %get3A_369 : vector<1x200x1xi32> to vector<200x1xi32>
    %sub3A_371 = vector.broadcast %get3A_370 : vector<200x1xi32> to vector<200x200xi32>
    %sub3A_372 = vector.broadcast %get3A_365 : vector<1x200xi32> to vector<200x200xi32>
    %sub3A_373 = arith.subi %sub3A_371, %sub3A_372 : vector<200x200xi32>
    %convert_element_type3A_374 = arith.sitofp %sub3A_373 : vector<200x200xi32> to vector<200x200xf32>
    %abs3A_375 = math.absf %convert_element_type3A_374 : vector<200x200xf32>
    %max3A_376 = arith.constant 1.000000e+00 : f32
    %max3A_377 = vector.broadcast %max3A_376 : f32 to vector<200x200xf32>
    %max3A_378 = arith.maximumf %abs3A_375, %max3A_377 : vector<200x200xf32>
    %log3A_379 = math.log %max3A_378 : vector<200x200xf32>
    %div3A_380 = arith.constant 3.010000e-01 : f32
    %div3A_381 = vector.broadcast %div3A_380 : f32 to vector<200x200xf32>
    %div3A_382 = arith.divf %log3A_379, %div3A_381 : vector<200x200xf32>
    %convert_element_type3A_383 = arith.fptosi %div3A_382 : vector<200x200xf32> to vector<200x200xi32>
    %reshape3A_384 = vector.shape_cast %convert_element_type3A_383 : vector<200x200xi32> to vector<200x200x1xi32>
    %gather3A_385 = vector.shape_cast %reshape3A_384 : vector<200x200x1xi32> to vector<200x200xi32>
    %gather3A_386 = tpu.dynamic_gather %broadcast_in_dim3A_2[%gather3A_385] in [1] : vector<200x128xf32>, vector<200x200xi32> -> vector<200x200xf32>
    %add3A_387 = arith.addf %gather3A_386, %get3A_7 : vector<200x200xf32>
    %swap3A_388 = arith.constant 11 : index
    %swap3A_389 = arith.constant 0 : index
    %swap3A_390 = arith.constant 0 : index
    %swap3A_391 = vector.load %arg5[%swap3A_388, %swap3A_389, %swap3A_390] : memref<16x200x200xf32, #tpu.memory_space<vmem>>, vector<1x200x200xf32>
    %swap3A_392 = vector.shape_cast %swap3A_391 : vector<1x200x200xf32> to vector<200x200xf32>
    %swap3A_393 = vector.shape_cast %add3A_387 : vector<200x200xf32> to vector<1x200x200xf32>
    tpu.vector_store %arg5[%swap3A_388, %swap3A_389, %swap3A_390], %swap3A_393 {strides = array<i32>} : memref<16x200x200xf32, #tpu.memory_space<vmem>>, vector<1x200x200xf32>,
    %get3A_394 = arith.constant 12 : index
    %get3A_395 = arith.constant 0 : index
    %get3A_396 = arith.constant 0 : index
    %get3A_397 = vector.load %arg1[%get3A_394, %get3A_395, %get3A_396] : memref<16x1x200xi32, #tpu.memory_space<vmem>>, vector<1x1x200xi32>
    %get3A_398 = vector.shape_cast %get3A_397 : vector<1x1x200xi32> to vector<1x200xi32>
    %get3A_399 = arith.constant 12 : index
    %get3A_400 = arith.constant 0 : index
    %get3A_401 = arith.constant 0 : index
    %get3A_402 = vector.load %arg2[%get3A_399, %get3A_400, %get3A_401] : memref<16x200x1xi32, #tpu.memory_space<vmem>>, vector<1x200x1xi32>
    %get3A_403 = vector.shape_cast %get3A_402 : vector<1x200x1xi32> to vector<200x1xi32>
    %sub3A_404 = vector.broadcast %get3A_403 : vector<200x1xi32> to vector<200x200xi32>
    %sub3A_405 = vector.broadcast %get3A_398 : vector<1x200xi32> to vector<200x200xi32>
    %sub3A_406 = arith.subi %sub3A_404, %sub3A_405 : vector<200x200xi32>
    %convert_element_type3A_407 = arith.sitofp %sub3A_406 : vector<200x200xi32> to vector<200x200xf32>
    %abs3A_408 = math.absf %convert_element_type3A_407 : vector<200x200xf32>
    %max3A_409 = arith.constant 1.000000e+00 : f32
    %max3A_410 = vector.broadcast %max3A_409 : f32 to vector<200x200xf32>
    %max3A_411 = arith.maximumf %abs3A_408, %max3A_410 : vector<200x200xf32>
    %log3A_412 = math.log %max3A_411 : vector<200x200xf32>
    %div3A_413 = arith.constant 3.010000e-01 : f32
    %div3A_414 = vector.broadcast %div3A_413 : f32 to vector<200x200xf32>
    %div3A_415 = arith.divf %log3A_412, %div3A_414 : vector<200x200xf32>
    %convert_element_type3A_416 = arith.fptosi %div3A_415 : vector<200x200xf32> to vector<200x200xi32>
    %reshape3A_417 = vector.shape_cast %convert_element_type3A_416 : vector<200x200xi32> to vector<200x200x1xi32>
    %gather3A_418 = vector.shape_cast %reshape3A_417 : vector<200x200x1xi32> to vector<200x200xi32>
    %gather3A_419 = tpu.dynamic_gather %broadcast_in_dim3A_2[%gather3A_418] in [1] : vector<200x128xf32>, vector<200x200xi32> -> vector<200x200xf32>
    %add3A_420 = arith.addf %gather3A_419, %get3A_7 : vector<200x200xf32>
    %swap3A_421 = arith.constant 12 : index
    %swap3A_422 = arith.constant 0 : index
    %swap3A_423 = arith.constant 0 : index
    %swap3A_424 = vector.load %arg5[%swap3A_421, %swap3A_422, %swap3A_423] : memref<16x200x200xf32, #tpu.memory_space<vmem>>, vector<1x200x200xf32>
    %swap3A_425 = vector.shape_cast %swap3A_424 : vector<1x200x200xf32> to vector<200x200xf32>
    %swap3A_426 = vector.shape_cast %add3A_420 : vector<200x200xf32> to vector<1x200x200xf32>
    tpu.vector_store %arg5[%swap3A_421, %swap3A_422, %swap3A_423], %swap3A_426 {strides = array<i32>} : memref<16x200x200xf32, #tpu.memory_space<vmem>>, vector<1x200x200xf32>,
    %get3A_427 = arith.constant 13 : index
    %get3A_428 = arith.constant 0 : index
    %get3A_429 = arith.constant 0 : index
    %get3A_430 = vector.load %arg1[%get3A_427, %get3A_428, %get3A_429] : memref<16x1x200xi32, #tpu.memory_space<vmem>>, vector<1x1x200xi32>
    %get3A_431 = vector.shape_cast %get3A_430 : vector<1x1x200xi32> to vector<1x200xi32>
    %get3A_432 = arith.constant 13 : index
    %get3A_433 = arith.constant 0 : index
    %get3A_434 = arith.constant 0 : index
    %get3A_435 = vector.load %arg2[%get3A_432, %get3A_433, %get3A_434] : memref<16x200x1xi32, #tpu.memory_space<vmem>>, vector<1x200x1xi32>
    %get3A_436 = vector.shape_cast %get3A_435 : vector<1x200x1xi32> to vector<200x1xi32>
    %sub3A_437 = vector.broadcast %get3A_436 : vector<200x1xi32> to vector<200x200xi32>
    %sub3A_438 = vector.broadcast %get3A_431 : vector<1x200xi32> to vector<200x200xi32>
    %sub3A_439 = arith.subi %sub3A_437, %sub3A_438 : vector<200x200xi32>
    %convert_element_type3A_440 = arith.sitofp %sub3A_439 : vector<200x200xi32> to vector<200x200xf32>
    %abs3A_441 = math.absf %convert_element_type3A_440 : vector<200x200xf32>
    %max3A_442 = arith.constant 1.000000e+00 : f32
    %max3A_443 = vector.broadcast %max3A_442 : f32 to vector<200x200xf32>
    %max3A_444 = arith.maximumf %abs3A_441, %max3A_443 : vector<200x200xf32>
    %log3A_445 = math.log %max3A_444 : vector<200x200xf32>
    %div3A_446 = arith.constant 3.010000e-01 : f32
    %div3A_447 = vector.broadcast %div3A_446 : f32 to vector<200x200xf32>
    %div3A_448 = arith.divf %log3A_445, %div3A_447 : vector<200x200xf32>
    %convert_element_type3A_449 = arith.fptosi %div3A_448 : vector<200x200xf32> to vector<200x200xi32>
    %reshape3A_450 = vector.shape_cast %convert_element_type3A_449 : vector<200x200xi32> to vector<200x200x1xi32>
    %gather3A_451 = vector.shape_cast %reshape3A_450 : vector<200x200x1xi32> to vector<200x200xi32>
    %gather3A_452 = tpu.dynamic_gather %broadcast_in_dim3A_2[%gather3A_451] in [1] : vector<200x128xf32>, vector<200x200xi32> -> vector<200x200xf32>
    %add3A_453 = arith.addf %gather3A_452, %get3A_7 : vector<200x200xf32>
    %swap3A_454 = arith.constant 13 : index
    %swap3A_455 = arith.constant 0 : index
    %swap3A_456 = arith.constant 0 : index
    %swap3A_457 = vector.load %arg5[%swap3A_454, %swap3A_455, %swap3A_456] : memref<16x200x200xf32, #tpu.memory_space<vmem>>, vector<1x200x200xf32>
    %swap3A_458 = vector.shape_cast %swap3A_457 : vector<1x200x200xf32> to vector<200x200xf32>
    %swap3A_459 = vector.shape_cast %add3A_453 : vector<200x200xf32> to vector<1x200x200xf32>
    tpu.vector_store %arg5[%swap3A_454, %swap3A_455, %swap3A_456], %swap3A_459 {strides = array<i32>} : memref<16x200x200xf32, #tpu.memory_space<vmem>>, vector<1x200x200xf32>,
    %get3A_460 = arith.constant 14 : index
    %get3A_461 = arith.constant 0 : index
    %get3A_462 = arith.constant 0 : index
    %get3A_463 = vector.load %arg1[%get3A_460, %get3A_461, %get3A_462] : memref<16x1x200xi32, #tpu.memory_space<vmem>>, vector<1x1x200xi32>
    %get3A_464 = vector.shape_cast %get3A_463 : vector<1x1x200xi32> to vector<1x200xi32>
    %get3A_465 = arith.constant 14 : index
    %get3A_466 = arith.constant 0 : index
    %get3A_467 = arith.constant 0 : index
    %get3A_468 = vector.load %arg2[%get3A_465, %get3A_466, %get3A_467] : memref<16x200x1xi32, #tpu.memory_space<vmem>>, vector<1x200x1xi32>
    %get3A_469 = vector.shape_cast %get3A_468 : vector<1x200x1xi32> to vector<200x1xi32>
    %sub3A_470 = vector.broadcast %get3A_469 : vector<200x1xi32> to vector<200x200xi32>
    %sub3A_471 = vector.broadcast %get3A_464 : vector<1x200xi32> to vector<200x200xi32>
    %sub3A_472 = arith.subi %sub3A_470, %sub3A_471 : vector<200x200xi32>
    %convert_element_type3A_473 = arith.sitofp %sub3A_472 : vector<200x200xi32> to vector<200x200xf32>
    %abs3A_474 = math.absf %convert_element_type3A_473 : vector<200x200xf32>
    %max3A_475 = arith.constant 1.000000e+00 : f32
    %max3A_476 = vector.broadcast %max3A_475 : f32 to vector<200x200xf32>
    %max3A_477 = arith.maximumf %abs3A_474, %max3A_476 : vector<200x200xf32>
    %log3A_478 = math.log %max3A_477 : vector<200x200xf32>
    %div3A_479 = arith.constant 3.010000e-01 : f32
    %div3A_480 = vector.broadcast %div3A_479 : f32 to vector<200x200xf32>
    %div3A_481 = arith.divf %log3A_478, %div3A_480 : vector<200x200xf32>
    %convert_element_type3A_482 = arith.fptosi %div3A_481 : vector<200x200xf32> to vector<200x200xi32>
    %reshape3A_483 = vector.shape_cast %convert_element_type3A_482 : vector<200x200xi32> to vector<200x200x1xi32>
    %gather3A_484 = vector.shape_cast %reshape3A_483 : vector<200x200x1xi32> to vector<200x200xi32>
    %gather3A_485 = tpu.dynamic_gather %broadcast_in_dim3A_2[%gather3A_484] in [1] : vector<200x128xf32>, vector<200x200xi32> -> vector<200x200xf32>
    %add3A_486 = arith.addf %gather3A_485, %get3A_7 : vector<200x200xf32>
    %swap3A_487 = arith.constant 14 : index
    %swap3A_488 = arith.constant 0 : index
    %swap3A_489 = arith.constant 0 : index
    %swap3A_490 = vector.load %arg5[%swap3A_487, %swap3A_488, %swap3A_489] : memref<16x200x200xf32, #tpu.memory_space<vmem>>, vector<1x200x200xf32>
    %swap3A_491 = vector.shape_cast %swap3A_490 : vector<1x200x200xf32> to vector<200x200xf32>
    %swap3A_492 = vector.shape_cast %add3A_486 : vector<200x200xf32> to vector<1x200x200xf32>
    tpu.vector_store %arg5[%swap3A_487, %swap3A_488, %swap3A_489], %swap3A_492 {strides = array<i32>} : memref<16x200x200xf32, #tpu.memory_space<vmem>>, vector<1x200x200xf32>,
    %get3A_493 = arith.constant 15 : index
    %get3A_494 = arith.constant 0 : index
    %get3A_495 = arith.constant 0 : index
    %get3A_496 = vector.load %arg1[%get3A_493, %get3A_494, %get3A_495] : memref<16x1x200xi32, #tpu.memory_space<vmem>>, vector<1x1x200xi32>
    %get3A_497 = vector.shape_cast %get3A_496 : vector<1x1x200xi32> to vector<1x200xi32>
    %get3A_498 = arith.constant 15 : index
    %get3A_499 = arith.constant 0 : index
    %get3A_500 = arith.constant 0 : index
    %get3A_501 = vector.load %arg2[%get3A_498, %get3A_499, %get3A_500] : memref<16x200x1xi32, #tpu.memory_space<vmem>>, vector<1x200x1xi32>
    %get3A_502 = vector.shape_cast %get3A_501 : vector<1x200x1xi32> to vector<200x1xi32>
    %sub3A_503 = vector.broadcast %get3A_502 : vector<200x1xi32> to vector<200x200xi32>
    %sub3A_504 = vector.broadcast %get3A_497 : vector<1x200xi32> to vector<200x200xi32>
    %sub3A_505 = arith.subi %sub3A_503, %sub3A_504 : vector<200x200xi32>
    %convert_element_type3A_506 = arith.sitofp %sub3A_505 : vector<200x200xi32> to vector<200x200xf32>
    %abs3A_507 = math.absf %convert_element_type3A_506 : vector<200x200xf32>
    %max3A_508 = arith.constant 1.000000e+00 : f32
    %max3A_509 = vector.broadcast %max3A_508 : f32 to vector<200x200xf32>
    %max3A_510 = arith.maximumf %abs3A_507, %max3A_509 : vector<200x200xf32>
    %log3A_511 = math.log %max3A_510 : vector<200x200xf32>
    %div3A_512 = arith.constant 3.010000e-01 : f32
    %div3A_513 = vector.broadcast %div3A_512 : f32 to vector<200x200xf32>
    %div3A_514 = arith.divf %log3A_511, %div3A_513 : vector<200x200xf32>
    %convert_element_type3A_515 = arith.fptosi %div3A_514 : vector<200x200xf32> to vector<200x200xi32>
    %reshape3A_516 = vector.shape_cast %convert_element_type3A_515 : vector<200x200xi32> to vector<200x200x1xi32>
    %gather3A_517 = vector.shape_cast %reshape3A_516 : vector<200x200x1xi32> to vector<200x200xi32>
    %gather3A_518 = tpu.dynamic_gather %broadcast_in_dim3A_2[%gather3A_517] in [1] : vector<200x128xf32>, vector<200x200xi32> -> vector<200x200xf32>
    %add3A_519 = arith.addf %gather3A_518, %get3A_7 : vector<200x200xf32>
    %swap3A_520 = arith.constant 15 : index
    %swap3A_521 = arith.constant 0 : index
    %swap3A_522 = arith.constant 0 : index
    %swap3A_523 = vector.load %arg5[%swap3A_520, %swap3A_521, %swap3A_522] : memref<16x200x200xf32, #tpu.memory_space<vmem>>, vector<1x200x200xf32>
    %swap3A_524 = vector.shape_cast %swap3A_523 : vector<1x200x200xf32> to vector<200x200xf32>
    %swap3A_525 = vector.shape_cast %add3A_519 : vector<200x200xf32> to vector<1x200x200xf32>
    tpu.vector_store %arg5[%swap3A_520, %swap3A_521, %swap3A_522], %swap3A_525 {strides = array<i32>} : memref<16x200x200xf32, #tpu.memory_space<vmem>>, vector<1x200x200xf32>,
    return
  }
  func.func @transform_0(%arg0: i32) -> (i32, i32, i32) {
    %c0_i32 = arith.constant 0 : i32
    %c0_i32_0 = arith.constant 0 : i32
    %c0_i32_1 = arith.constant 0 : i32
    return %arg0, %c0_i32, %c0_i32_0 : i32, i32, i32
  }
  func.func @transform_1(%arg0: i32) -> (i32, i32, i32) {
    %c0_i32 = arith.constant 0 : i32
    %c0_i32_0 = arith.constant 0 : i32
    %c0_i32_1 = arith.constant 0 : i32
    return %arg0, %c0_i32, %c0_i32_0 : i32, i32, i32
  }
  func.func @transform_2(%arg0: i32) -> (i32, i32) {
    %c0_i32 = arith.constant 0 : i32
    %c0_i32_0 = arith.constant 0 : i32
    %c0_i32_1 = arith.constant 0 : i32
    return %c0_i32, %c0_i32_0 : i32, i32
  }
  func.func @transform_3(%arg0: i32) -> (i32, i32, i32) {
    %c0_i32 = arith.constant 0 : i32
    %c0_i32_0 = arith.constant 0 : i32
    %c0_i32_1 = arith.constant 0 : i32
    %c0_i32_2 = arith.constant 0 : i32
    return %c0_i32, %c0_i32_0, %c0_i32_1 : i32, i32, i32
  }
  func.func @transform_4(%arg0: i32) -> (i32, i32, i32) {
    %c0_i32 = arith.constant 0 : i32
    %c0_i32_0 = arith.constant 0 : i32
    %c0_i32_1 = arith.constant 0 : i32
    return %arg0, %c0_i32, %c0_i32_0 : i32, i32, i32
  }
}

</mosaic_0001>

<sc_bundles>
// kernel: kernel.5.cloned.1.call-start
scs
__scs_entry_jumppad:
0x0: {  	(pc) =	sbr.rel $0x88, $3  }
0x1: {  	(tag) =	ssettag $0x0;
	lr =	simm.s32 $0x1  }
0x2: {  	[smem:$0x3F9E] =	sst lr;
	_ =	strace $0xD0000000  }
0x3: {  	_ = 	snop  }
0x4: {  	_ = 	snop  }
0x5: {  	_ = 	snop  }
0x6: {  	_ = 	snop  }
0x7: {  	_ = 	snop  }
__scs_overlays_trampoline_lowered:
0x8: {  	[smem:$0x3FAD] =	sst s0  }
0x9: {  	[smem:$0x3FAE] =	sst s1  }
0xa: {  	[smem:$0x3FAF] =	sst s2  }
0xb: {  	[smem:$0x3FB0] =	sst s3  }
0xc: {  	[smem:$0x3FB1] =	sst s4  }
0xd: {  	[smem:$0x3FB2] =	sst s5  }
0xe: {  	[smem:$0x3FB3] =	sst s6  }
0xf: {  	[smem:$0x3FB4] =	sst s7  }
0x10: {  	[smem:$0x3FB5] =	sst s8  }
0x11: {  	[smem:$0x3FB6] =	sst s9;
	s0 =	simm.s32 @!p0 $0x0  }
0x12: {  	s1 =	sld [smem:$0x3F9C];
	s0 =	simm.s32 @p0 $0x1  }
0x13: {  	[smem:$0x3FB7] =	sst s0;
	s0 =	simm.s32 @!p1 $0x0  }
0x14: {  	s2 =	sld [smem:$0x3F9B];
	s0 =	simm.s32 @p1 $0x1  }
0x15: {  	[smem:$0x3FB8] =	sst s0;
	s0 =	simm.s32 @!p2 $0x0  }
0x16: {  	s3 =	sld [smem:$0x3FDB];
	s0 =	simm.s32 @p2 $0x1  }
0x17: {  	s4 =	simm.s32 $0x1BF5;
	[smem:$0x3FBA] =	sst s0  }
0x18: {  	s0 =	sld [smem:$0x3F9D];
	_ =	swait.ge [sflag:s4], $0x0  }
0x19: {  	s7 =	sld [smem:$0x3F9E]  }
0x1a: {  	s8 =	sadd.s32 $0xFFFFE003, lr  }
0x1b: {  	s9 =	sadd.s32 $0xFFFFFEF7, lr;
	s5 =	simm.s32 $0xFFFFFFFF;
	p2 =	slt.u32 s8, $0xFFFFF086  }
0x1c: {  	p1 =	slt.u32 s9, $0xF7A;
	s5 =	simm.s32 @!p2 $0x0  }
0x1d: {  	s5 =	simm.s32 @p1 $0x1;
	p0 =	seq.s32 s7, s2  }
0x1e: {  	s7 =	smul.u32 @!p0 $0xF7A, s2;
	p2 =	seq.s32 @!p0 s5, $0x0  }
0x1f: {  	s9 =	smul.u32 $0xF7A, s1;
	s8 =	simm.s32 @!p0 $0x1BF5;
	p2 =	por !p2, p0  }
0x20: {  	[sflag:s8] =	ssyncset.s32 @!p0 $0xFFFFF086;
	s6 =	sadd.s32 @!p0 s3, s7;
	s7 =	simm.s32 @!p0 $0x108  }
0x21: {  	s3 =	sadd.s32 s3, s9;
	s6 =	sadd.s32 @!p0 $0x88, s6;
	s7 =	simm.s32 @p2 $0x1082  }
0x22: {  	[simem:s7], [sflag:s8] =	dma.local @!p0 [hbm:s6], $0xF7A  }
0x23: {  	s9 =	sor.u32 $0xD0000000, s2;
	s6 =	simm.s32 $0x108;
	_ =	swait.ge @!p0 [sflag:s8], $0x0  }
0x24: {  	s3 =	sadd.s32 $0x88, s3;
	s6 =	simm.s32 @!p1 $0x1082;
	[sflag:s4] =	ssyncset.s32 $0xFFFFF086  }
0x25: {  	[simem:s6], [sflag:s4] =	dma.local [hbm:s3], $0xF7A  }
0x26: {  	[smem:$0x3F9E] =	sst s1;
	(tag) =	ssettag s2;
	_ =	strace s9  }
0x27: {  	s1 =	sld [smem:$0x3FAE]  }
0x28: {  	s2 =	sld [smem:$0x3FAF]  }
0x29: {  	s4 =	sld [smem:$0x3FB1]  }
0x2a: {  	p0 =	seq.s32 s5, $0x0;
	s5 =	sld [smem:$0x3FB2]  }
0x2b: {  	s6 =	sld [smem:$0x3FB3]  }
0x2c: {  	s7 =	sld [smem:$0x3FB4]  }
0x2d: {  	s3 =	simm.s32 $0x108;
	s8 =	sld [smem:$0x3FB5]  }
0x2e: {  	s3 =	simm.s32 @!p0 $0x1082;
	s9 =	sld [smem:$0x3FB6]  }
0x2f: {  	lr =	sadd.s32 s0, s3;
	s0 =	sld [smem:$0x3FAD]  }
0x30: {  	s3 =	sld [smem:$0x3FB0]  }
0x31: {  	[smem:$0x3FB9] =	sst s10  }
0x32: {  	s10 =	sld [smem:$0x3FB7];
	_ =	sdelay $0x3  }
0x33: {  	p0 =	seq.s32 s10, $0x1;
	s10 =	sld [smem:$0x3FB9];
	_ =	sdelay $0x3  }
0x34: {  	[smem:$0x3FB9] =	sst s10  }
0x35: {  	s10 =	sld [smem:$0x3FB8];
	_ =	sdelay $0x3  }
0x36: {  	p1 =	seq.s32 s10, $0x1;
	s10 =	sld [smem:$0x3FB9];
	_ =	sdelay $0x3  }
0x37: {  	[smem:$0x3FB9] =	sst s10  }
0x38: {  	s10 =	sld [smem:$0x3FBA]  }
0x39: {  	_ = 	snop;
	(pc) =	sbr.ind lr, $3  }
0x3a: {  	_ = 	snop  }
0x3b: {  	_ = 	snop  }
0x3c: {  	p2 =	seq.s32 s10, $0x1;
	s10 =	sld [smem:$0x3FB9]  }
0x3d: {  	_ =	shalt  }
0x3e: {  	_ =	shalt  }
0x3f: {  	_ =	shalt  }
0x40: {  	_ =	shalt  }
0x41: {  	_ =	shalt  }
0x42: {  	_ =	shalt  }
0x43: {  	_ =	shalt  }
0x44: {  	_ =	shalt  }
0x45: {  	_ =	shalt  }
0x46: {  	_ =	shalt  }
0x47: {  	_ =	shalt  }
0x48: {  	_ =	shalt  }
0x49: {  	_ =	shalt  }
0x4a: {  	_ =	shalt  }
0x4b: {  	_ =	shalt  }
0x4c: {  	_ =	shalt  }
0x4d: {  	_ =	shalt  }
0x4e: {  	_ =	shalt  }
0x4f: {  	_ =	shalt  }
0x50: {  	_ =	shalt  }
0x51: {  	_ =	shalt  }
0x52: {  	_ =	shalt  }
0x53: {  	_ =	shalt  }
0x54: {  	_ =	shalt  }
0x55: {  	_ =	shalt  }
0x56: {  	_ =	shalt  }
0x57: {  	_ =	shalt  }
0x58: {  	_ =	shalt  }
0x59: {  	_ =	shalt  }
0x5a: {  	_ =	shalt  }
0x5b: {  	_ =	shalt  }
0x5c: {  	_ =	shalt  }
0x5d: {  	_ =	shalt  }
0x5e: {  	_ =	shalt  }
0x5f: {  	_ =	shalt  }
0x60: {  	_ =	shalt  }
0x61: {  	_ =	shalt  }
0x62: {  	_ =	shalt  }
0x63: {  	_ =	shalt  }
0x64: {  	_ =	shalt  }
0x65: {  	_ =	shalt  }
0x66: {  	_ =	shalt  }
0x67: {  	_ =	shalt  }
0x68: {  	_ =	shalt  }
0x69: {  	_ =	shalt  }
0x6a: {  	_ =	shalt  }
0x6b: {  	_ =	shalt  }
0x6c: {  	_ =	shalt  }
0x6d: {  	_ =	shalt  }
0x6e: {  	_ =	shalt  }
0x6f: {  	_ =	shalt  }
0x70: {  	_ =	shalt  }
0x71: {  	_ =	shalt  }
0x72: {  	_ =	shalt  }
0x73: {  	_ =	shalt  }
0x74: {  	_ =	shalt  }
0x75: {  	_ =	shalt  }
0x76: {  	_ =	shalt  }
0x77: {  	_ =	shalt  }
0x78: {  	_ =	shalt  }
0x79: {  	_ =	shalt  }
0x7a: {  	_ =	shalt  }
0x7b: {  	_ =	shalt  }
0x7c: {  	_ =	shalt  }
0x7d: {  	_ =	shalt  }
0x7e: {  	_ =	shalt  }
0x7f: {  	_ =	shalt  }
0x80: {  	_ =	shalt  }
0x81: {  	_ =	shalt  }
0x82: {  	_ =	shalt  }
0x83: {  	_ =	shalt  }
0x84: {  	_ =	shalt  }
0x85: {  	_ =	shalt  }
0x86: {  	_ =	shalt  }
0x87: {  	_ =	shalt  }
.Lfunc_end0:
.L_simem_size_0:
called_computation.1_lowered:
.L_overlay_start_0:
0x88: {  	s2 =	sld [smem:$0x3FD9]  }
0x89: {  	s3 =	sld [smem:$0x3FFE];
	_ =	sdelay $0x1  }
0x8a: {  	s1 =	srdreg.scid  }
0x8b: {  	s0 =	sand.u32 $0x1, s1  }
0x8c: {  	s16 =	sshll.u32 s0, $0xA;
	s2 =	sadd.s32 s3, s2  }
0x8d: {  	s2 =	sadd.s32 s2, s16  }
0x8e: {  	[smem:$0x3FC5] =	sst s2  }
0x8f: {  	_ = 	snop  }
0x90: {  	(tm) =	ssettm $0x1  }
0x91: {  	s17 =	sld [smem:$0x3FFB];
	_ =	sdelay $0x3  }
0x92: {  	_ =	strace s17  }
0x93: {  	s2 =	sld [smem:$0x3FFC];
	_ =	sdelay $0x3  }
0x94: {  	_ =	strace s2  }
0x95: {  	s2 =	sld [smem:$0x3FFD];
	_ =	sdelay $0x3  }
0x96: {  	_ =	strace s2  }
0x97: {  	_ =	strace $0x8FFFFFFF  }
0x98: {  	s18 =	sld [smem:$0x3FDB];
	_ =	sdelay $0x1  }
0x99: {  	s19 =	simm.s32 $_scs_section_size  }
0x9a: {  	s4 =	simm.s32 $_size__tile_overlayer_lowered;
	s5 =	simm.s32 $_tile_overlayer_lowered  }
0x9b: {  	s22 =	simm.s32 $0x1BFF;
	s21 =	sshll.u32 s5, $0x1;
	s2 =	sadd.s32 s19, s18  }
0x9c: {  	s6 =	simm.s32 $0x0;
	s20 =	sshll.u32 s4, $0x1;
	s4 =	sadd.s32 s21, s2  }
0x9d: {  	[timem:s6], [sflag:s22] =	dma.local [hbm:s4], s20  }
0x9e: {  	_ =	swait.ge [sflag:s22], s20  }
0x9f: {  	s3 =	ssub.s32 $0x0, s20;
	[sflag:s22] =	ssyncset.done $0x0  }
0xa0: {  	[sflag:s22] =	ssyncadd.s32 s3;
	_ =	sdelay $0x1  }
0xa1: {  	s23 =	simm.s32 $0x1B8B  }
0xa2: {  	_ =	swait.ge [sflag:s23], $0x1  }
0xa3: {  	[sflag:s23] =	ssyncset.done $0x0  }
0xa4: {  	s25 =	simm.s32 $0x1B8E;
	s24 =	sld [smem:$0x3FFE];
	[sflag:s23] =	ssyncadd.s32 $0xFFFFFFFF  }
0xa5: {  	s26 =	simm.s32 $execute0_lowered;
	[smem:$0x3FD2] =	sst s25  }
0xa6: {  	s4 =	sshll.u32 s26, $0x1;
	_ =	strace $0x80000046;
	[dreg:$0x1] =	wrdreg $0xFFFFFFFF  }
0xa7: {  	s28 =	simm.s32 $_size_execute0_lowered;
	s2 =	sadd.s32 s2, s4;
	[dreg:$0x0] =	wrdreg $0x0  }
0xa8: {  	s4 =	sshll.u32 s28, $0x1;
	[dreg:$0x2] =	wrdreg s2  }
0xa9: {  	[dreg:$0x3] =	wrdreg s4  }
0xaa: {  	[dreg:$0x4] =	wrdreg $0xC0  }
0xab: {  	_ =	task [dreg:s6], $0x5FFFF  }
0xac: {  	[dreg:$0x1] =	wrdreg $0xFFFFFFFF  }
0xad: {  	[dreg:$0x0] =	wrdreg $0x60  }
0xae: {  	[dreg:$0x2] =	wrdreg s24  }
0xaf: {  	[dreg:$0x3] =	wrdreg $0x9  }
0xb0: {  	_ =	task.clear_ibuf [dreg:s6], $0x4FFFF;
	_ =	strace $0x90000046  }
0xb1: {  	s29 =	simm.s32 $0x9;
	_ =	strace $0x80000048  }
0xb2: {  	_ =	swait.ge [sflag:s29], $0x1  }
0xb3: {  	[sflag:s29] =	ssyncadd.s32 $0xFFFFFFFF  }
0xb4: {  	_ =	strace $0x90000048  }
0xb5: {  	_ =	sfence  }
0xb6: {  	s30 =	sld [smem:$0x0];
	_ =	sdelay $0x2  }
0xb7: {  	s31 =	sshll.u32 s1, $0xD;
	s1 =	sshrl.u32 s1, $0x2  }
0xb8: {  	s3 =	sand.u32 $0x4000, s31;
	s1 =	sadd.s32 s1, s30  }
0xb9: {  	s0 =	sor.u32 s3, s0;
	s1 =	sshll.u32 s1, $0x11  }
0xba: {  	s0 =	sor.u32 s1, s0  }
0xbb: {  	s0 =	sadd.s32 $0x8F2B, s0  }
0xbc: {  	[sflag:s0] =	ssyncadd.remote.s32 $0x1  }
0xbd: {  	_ =	sfence.sel $0xFFFF  }
0xbe: {  	[dreg:$0x0] =	wrdreg $0xFFFFFFFF;
	(pc) =	sbr.abs _section_cstart, $3  }
0xbf: {  	[dreg:$0x1] =	wrdreg $0xFFFFFFFF  }
0xc0: {  	_ =	task.clear_ibuf [dreg:s6], $0x2FFFF;
	_ =	strace $0x9FFFFFFF  }
0xc1: {  	(tm) =	ssettm $0x7FFFFFFF  }
tec
execute0_lowered:
.L_overlay_start_1:
0x0: {  	(tag) =	ssettag $0x1  }
0x1: {  	s1 =	srdreg.scid;
	s0 =	stileid.u32  }
0x2: {  	s7 =	rddreg [dreg:$0x0];
	s12 =	simm.s32 $0x200;
	s13 =	simm.s32 $0x400  }
0x3: {  	s14 =	simm.s32 $0x480;
	s15 =	simm.s32 $0x80;
	s16 =	simm.s32 $0x500  }
0x4: {  	s17 =	simm.s32 $0x1;
	s18 =	simm.s32 $0x0;
	s5 =	sand.u32 $0x1, s1  }
0x5: {  	s28 =	sshll.u32 s0, $0x8;
	s2 =	sshll.u32 s0, $0x9;
	s1 =	rddreg [dreg:$0x1]  }
0x6: {  	s29 =	sshrl.u32 s0, $0x2;
	s3 =	sshll.u32 s5, $0x7;
	s4 =	sand.u32 $0x300, s28  }
0x7: {  	s6 =	sand.u32 $0x1800, s2;
	s2 =	simm.s32 $0x0;
	s30 =	smul.u32 $0x4E400, s29  }
0x8: {  	s31 =	ssub.s32 $0x2, s5;
	s5 =	sadd.s32 $0x8A00, s7;
	s8 =	sor.u32 s3, s4  }
0x9: {  	[smem:$0x7FF] =	sst s2;
	s4 =	sadd.s32 $0x600, s7;
	s11 =	sshrl.u32 s31, $0x1  }
0xa: {  	v0 =	vlaneseq.u32;
	v1 =	vimm.s32 $0x0;
	s3 =	sor.u32 s6, s8;
	_ =	strace $0x80000047;
	s6 =	sor.u32 s30, s8  }
0xb: {  	v2 =	vor.u32 $0x10, v0;
	v3 =	vor.u32 $0x20, v0;
	v4 =	vor.u32 $0x30, v0;
	s11 =	ssub.s32 s31, s11;
	s3 =	sshrl.u32 s3, $0x3;
	s10 =	sshrl.u32 s6, $0x3  }
0xc: {  	v5 =	vor.u32 $0x40, v0;
	v6 =	vor.u32 $0x50, v0;
	v7 =	vor.u32 $0x60, v0;
	s6 =	sadd.s32 $0x8800, s7;
	s9 =	sadd.s32 s3, s7;
	s10 =	sadd.s32 s10, s7  }
0xd: {  	v8 =	vor.u32 $0x70, v0;
	v9 =	vor.u32 $0x80, v0;
	v10 =	vor.u32 $0x90, v0;
	s3 =	sadd.s32 $0x400, s7;
	s7 =	sadd.s32 $0x8400, s9;
	s8 =	sadd.s32 $0x8C00, s10  }
0xe: {  	v11 =	vor.u32 $0xA0, v0;
	v12 =	vor.u32 $0xB0, v0;
	v13 =	vadd.s32 $0xB8, v0;
	s9 =	smax.u32 s11, $0x1;
	s10 =	simm.s32 $0x100;
	s11 =	simm.s32 $0x2  }
.LBB2_1:
0xf: {  	[tilespmem:s10], [sflag:$0x2] =	stream.linear.gather [hbm4b:s3+s2], $0x100, $0x38;
	[tilespmem:$0xA180] =	vst v63  }
0x10: {  	_ =	swait.ge [sflag:s11], $0x100  }
0x11: {  	[sflag:s11] =	ssyncset.done $0x0  }
0x12: {  	[sflag:s11] =	ssyncadd.s32 $0xFFFFFF00  }
0x13: {  	[tilespmem:s12], [sflag:$0x2] =	stream.linear.gather [hbm4b:s4+s2], $0x200, $0x38;
	[tilespmem:$0xA180] =	vst v63  }
0x14: {  	_ =	swait.ge [sflag:s11], $0x200  }
0x15: {  	[sflag:s11] =	ssyncset.done $0x0  }
0x16: {  	[sflag:s11] =	ssyncadd.s32 $0xFFFFFE00  }
0x17: {  	[tilespmem:s13], [sflag:$0x2] =	stream.linear.gather [hbm4b:s5+s2], $0x80, $0x38;
	[tilespmem:$0xA180] =	vst v63  }
0x18: {  	_ =	swait.ge [sflag:s11], $0x80  }
0x19: {  	[sflag:s11] =	ssyncset.done $0x0  }
0x1a: {  	[sflag:s11] =	ssyncadd.s32 $0xFFFFFF80  }
0x1b: {  	[tilespmem:s14], [sflag:$0x2] =	stream.linear.gather [hbm4b:s6+s2], $0x80, $0x38;
	[tilespmem:$0xA180] =	vst v63  }
0x1c: {  	_ =	swait.ge [sflag:s11], $0x80  }
0x1d: {  	[sflag:s11] =	ssyncset.done $0x0  }
0x1e: {  	[sflag:s11] =	ssyncadd.s32 $0xFFFFFF80  }
0x1f: {  	[tilespmem:s2], [sflag:$0x2] =	stream.strided.gather [hbm4b:s7+s15], $0x100, s13, s15, $0x38;
	[tilespmem:$0xA180] =	vst v63  }
0x20: {  	_ =	swait.ge [sflag:s11], $0x100  }
0x21: {  	s19 =	simm.s32 $0x17F;
	[sflag:s11] =	ssyncset.done $0x0  }
0x22: {  	s20 =	simm.s32 $0xB8;
	s21 =	simm.s32 $0x1;
	[sflag:s11] =	ssyncadd.s32 $0xFFFFFF00  }
.LBB2_2:
0x23: {  	s22 =	smin.u32 s21, $0xC7  }
0x24: {  	v14 =	vmov s22;
	_ =	sdelay $0x3  }
0x25: {  	v15 =	vld.idx.msk [tilespmem:v0+s2+$0x0], $0xffff  }
0x26: {  	v14 =	vld.idx.msk [tilespmem:v14+s2+$0x0], $0xffff;
	_ =	sdelay $0x4  }
0x27: {  	v15 =	vsub.s32 v14, v15  }
0x28: {  	v16 =	vsub.s32 $0x0, v15  }
0x29: {  	v15 =	vmin.u32 v15, v16  }
0x2a: {  	vm0 =	vgt.s32 v15, $0x1  }
0x2b: {  	v15 =	vnsel vm0, $0x1, v15  }
0x2c: {  	v15 =	vcvt.s32.f32 v15;
	_ =	sdelay $0x1  }
0x2d: {  	v23 =	vshrl.u32 v15, $0x17  }
0x2e: {  	v17 =	vadd.s32 $0xFFFFFF81, v23;
	_ =	sdelay $0x1  }
0x2f: {  	v18 =	vadd.s32 $0xFFFFFFA1, v23  }
0x30: {  	v16 =	vadd.s32 $0xFFFFFFC1, v23;
	_ =	sdelay $0x1  }
0x31: {  	v19 =	vld.idx.msk [tilespmem:v17+s13+$0x0], $0xffff  }
0x32: {  	v17 =	vld.idx.msk [tilespmem:v17+s14+$0x0], $0xffff  }
0x33: {  	v18 =	vld.idx.msk [tilespmem:v18+s14+$0x0], $0xffff  }
0x34: {  	v16 =	vld.idx.msk [tilespmem:v16+s14+$0x0], $0xffff;
	_ =	sdelay $0x1  }
0x35: {  	v15 =	vand.u32 $0x7FFFFF, v15  }
0x36: {  	vm13 =	vge.s32 v15, v17  }
0x37: {  	vm14 =	vge.s32 v15, v18;
	v17 =	vsel vm13, $0x1, v1  }
0x38: {  	s23 =	sadd.s32 $0xFFFFFF48, s19;
	vm15 =	vge.s32 v15, v16;
	v18 =	vsel vm14, $0x1, v1;
	v15 =	vadd.s32 v17, v19  }
0x39: {  	v24 =	vadd.s32 s23, v0;
	v16 =	vsel vm15, $0x1, v1;
	v15 =	vadd.s32 v18, v15  }
0x3a: {  	v15 =	vadd.s32 v16, v15;
	_ =	sdelay $0x3  }
0x3b: {  	v16 =	vld.idx.msk [tilespmem:v24+s12+$0x0], $0xffff  }
0x3c: {  	v15 =	vld.idx.msk [tilespmem:v15+s10+$0x0], $0xffff  }
0x3d: {  	s24 =	sadd.s32 $0xFFFFFF48, s20  }
0x3e: {  	v25 =	vadd.s32 s24, v0;
	_ =	sdelay $0x2  }
0x3f: {  	v15 =	vadd.f32 v16, v15;
	_ =	sdelay $0x1  }
0x40: {  	[tilespmem:v25+s16+$0x0] =	vst.idx.msk $0xffff, v15  }
0x41: {  	v15 =	vld.idx.msk [tilespmem:v2+s2+$0x0], $0xffff;
	_ =	sdelay $0x4  }
0x42: {  	v15 =	vsub.s32 v14, v15  }
0x43: {  	v26 =	vsub.s32 $0x0, v15  }
0x44: {  	v15 =	vmin.u32 v15, v26  }
0x45: {  	vm4 =	vgt.s32 v15, $0x1  }
0x46: {  	v15 =	vnsel vm4, $0x1, v15  }
0x47: {  	v15 =	vcvt.s32.f32 v15;
	_ =	sdelay $0x1  }
0x48: {  	v27 =	vshrl.u32 v15, $0x17  }
0x49: {  	v28 =	vadd.s32 $0xFFFFFF81, v27;
	_ =	sdelay $0x1  }
0x4a: {  	v29 =	vadd.s32 $0xFFFFFFA1, v27  }
0x4b: {  	v16 =	vadd.s32 $0xFFFFFFC1, v27;
	_ =	sdelay $0x1  }
0x4c: {  	v30 =	vld.idx.msk [tilespmem:v28+s13+$0x0], $0xffff  }
0x4d: {  	v17 =	vld.idx.msk [tilespmem:v28+s14+$0x0], $0xffff  }
0x4e: {  	v18 =	vld.idx.msk [tilespmem:v29+s14+$0x0], $0xffff  }
0x4f: {  	v16 =	vld.idx.msk [tilespmem:v16+s14+$0x0], $0xffff;
	_ =	sdelay $0x1  }
0x50: {  	v15 =	vand.u32 $0x7FFFFF, v15  }
0x51: {  	vm5 =	vge.s32 v15, v17  }
0x52: {  	vm6 =	vge.s32 v15, v18;
	v17 =	vsel vm5, $0x1, v1  }
0x53: {  	s25 =	sadd.s32 $0xFFFFFF58, s19;
	vm7 =	vge.s32 v15, v16;
	v18 =	vsel vm6, $0x1, v1;
	v15 =	vadd.s32 v17, v30  }
0x54: {  	v31 =	vadd.s32 s25, v0;
	v16 =	vsel vm7, $0x1, v1;
	v15 =	vadd.s32 v18, v15  }
0x55: {  	v15 =	vadd.s32 v16, v15;
	_ =	sdelay $0x3  }
0x56: {  	v16 =	vld.idx.msk [tilespmem:v31+s12+$0x0], $0xffff  }
0x57: {  	v15 =	vld.idx.msk [tilespmem:v15+s10+$0x0], $0xffff  }
0x58: {  	s26 =	sadd.s32 $0xFFFFFF58, s20  }
0x59: {  	v32 =	vadd.s32 s26, v0;
	_ =	sdelay $0x2  }
0x5a: {  	v15 =	vadd.f32 v16, v15;
	_ =	sdelay $0x1  }
0x5b: {  	[tilespmem:v32+s16+$0x0] =	vst.idx.msk $0xffff, v15  }
0x5c: {  	v15 =	vld.idx.msk [tilespmem:v3+s2+$0x0], $0xffff;
	_ =	sdelay $0x4  }
0x5d: {  	v15 =	vsub.s32 v14, v15  }
0x5e: {  	v33 =	vsub.s32 $0x0, v15  }
0x5f: {  	v15 =	vmin.u32 v15, v33  }
0x60: {  	vm8 =	vgt.s32 v15, $0x1  }
0x61: {  	v15 =	vnsel vm8, $0x1, v15  }
0x62: {  	v15 =	vcvt.s32.f32 v15;
	_ =	sdelay $0x1  }
0x63: {  	v34 =	vshrl.u32 v15, $0x17  }
0x64: {  	v35 =	vadd.s32 $0xFFFFFF81, v34;
	_ =	sdelay $0x1  }
0x65: {  	v36 =	vadd.s32 $0xFFFFFFA1, v34  }
0x66: {  	v16 =	vadd.s32 $0xFFFFFFC1, v34;
	_ =	sdelay $0x1  }
0x67: {  	v37 =	vld.idx.msk [tilespmem:v35+s13+$0x0], $0xffff  }
0x68: {  	v17 =	vld.idx.msk [tilespmem:v35+s14+$0x0], $0xffff  }
0x69: {  	v18 =	vld.idx.msk [tilespmem:v36+s14+$0x0], $0xffff  }
0x6a: {  	v16 =	vld.idx.msk [tilespmem:v16+s14+$0x0], $0xffff;
	_ =	sdelay $0x1  }
0x6b: {  	v15 =	vand.u32 $0x7FFFFF, v15  }
0x6c: {  	vm9 =	vge.s32 v15, v17  }
0x6d: {  	vm10 =	vge.s32 v15, v18;
	v17 =	vsel vm9, $0x1, v1  }
0x6e: {  	s28 =	sadd.s32 $0xFFFFFF68, s19;
	vm11 =	vge.s32 v15, v16;
	v18 =	vsel vm10, $0x1, v1;
	v15 =	vadd.s32 v17, v37  }
0x6f: {  	v38 =	vadd.s32 s28, v0;
	v16 =	vsel vm11, $0x1, v1;
	v15 =	vadd.s32 v18, v15  }
0x70: {  	v15 =	vadd.s32 v16, v15;
	_ =	sdelay $0x3  }
0x71: {  	v16 =	vld.idx.msk [tilespmem:v38+s12+$0x0], $0xffff  }
0x72: {  	v15 =	vld.idx.msk [tilespmem:v15+s10+$0x0], $0xffff  }
0x73: {  	s29 =	sadd.s32 $0xFFFFFF68, s20  }
0x74: {  	v39 =	vadd.s32 s29, v0;
	_ =	sdelay $0x2  }
0x75: {  	v15 =	vadd.f32 v16, v15;
	_ =	sdelay $0x1  }
0x76: {  	[tilespmem:v39+s16+$0x0] =	vst.idx.msk $0xffff, v15  }
0x77: {  	v15 =	vld.idx.msk [tilespmem:v4+s2+$0x0], $0xffff;
	_ =	sdelay $0x4  }
0x78: {  	v15 =	vsub.s32 v14, v15  }
0x79: {  	v40 =	vsub.s32 $0x0, v15  }
0x7a: {  	v15 =	vmin.u32 v15, v40  }
0x7b: {  	vm12 =	vgt.s32 v15, $0x1  }
0x7c: {  	v15 =	vnsel vm12, $0x1, v15  }
0x7d: {  	v15 =	vcvt.s32.f32 v15;
	_ =	sdelay $0x1  }
0x7e: {  	v41 =	vshrl.u32 v15, $0x17  }
0x7f: {  	v42 =	vadd.s32 $0xFFFFFF81, v41;
	_ =	sdelay $0x1  }
0x80: {  	v43 =	vadd.s32 $0xFFFFFFA1, v41  }
0x81: {  	v16 =	vadd.s32 $0xFFFFFFC1, v41;
	_ =	sdelay $0x1  }
0x82: {  	v44 =	vld.idx.msk [tilespmem:v42+s13+$0x0], $0xffff  }
0x83: {  	v17 =	vld.idx.msk [tilespmem:v42+s14+$0x0], $0xffff  }
0x84: {  	v18 =	vld.idx.msk [tilespmem:v43+s14+$0x0], $0xffff  }
0x85: {  	v16 =	vld.idx.msk [tilespmem:v16+s14+$0x0], $0xffff;
	_ =	sdelay $0x1  }
0x86: {  	v15 =	vand.u32 $0x7FFFFF, v15  }
0x87: {  	vm13 =	vge.s32 v15, v17  }
0x88: {  	vm14 =	vge.s32 v15, v18;
	v17 =	vsel vm13, $0x1, v1  }
0x89: {  	s30 =	sadd.s32 $0xFFFFFF78, s19;
	vm15 =	vge.s32 v15, v16;
	v18 =	vsel vm14, $0x1, v1;
	v15 =	vadd.s32 v17, v44  }
0x8a: {  	v45 =	vadd.s32 s30, v0;
	v16 =	vsel vm15, $0x1, v1;
	v15 =	vadd.s32 v18, v15  }
0x8b: {  	v15 =	vadd.s32 v16, v15;
	_ =	sdelay $0x3  }
0x8c: {  	v16 =	vld.idx.msk [tilespmem:v45+s12+$0x0], $0xffff  }
0x8d: {  	v15 =	vld.idx.msk [tilespmem:v15+s10+$0x0], $0xffff  }
0x8e: {  	s31 =	sadd.s32 $0xFFFFFF78, s20  }
0x8f: {  	v46 =	vadd.s32 s31, v0;
	_ =	sdelay $0x2  }
0x90: {  	v15 =	vadd.f32 v16, v15;
	_ =	sdelay $0x1  }
0x91: {  	[tilespmem:v46+s16+$0x0] =	vst.idx.msk $0xffff, v15  }
0x92: {  	v15 =	vld.idx.msk [tilespmem:v5+s2+$0x0], $0xffff;
	_ =	sdelay $0x4  }
0x93: {  	v15 =	vsub.s32 v14, v15  }
0x94: {  	v47 =	vsub.s32 $0x0, v15  }
0x95: {  	v15 =	vmin.u32 v15, v47  }
0x96: {  	vm4 =	vgt.s32 v15, $0x1  }
0x97: {  	v15 =	vnsel vm4, $0x1, v15  }
0x98: {  	v15 =	vcvt.s32.f32 v15;
	_ =	sdelay $0x1  }
0x99: {  	v48 =	vshrl.u32 v15, $0x17  }
0x9a: {  	v49 =	vadd.s32 $0xFFFFFF81, v48;
	_ =	sdelay $0x1  }
0x9b: {  	v50 =	vadd.s32 $0xFFFFFFA1, v48  }
0x9c: {  	v16 =	vadd.s32 $0xFFFFFFC1, v48;
	_ =	sdelay $0x1  }
0x9d: {  	v51 =	vld.idx.msk [tilespmem:v49+s13+$0x0], $0xffff  }
0x9e: {  	v17 =	vld.idx.msk [tilespmem:v49+s14+$0x0], $0xffff  }
0x9f: {  	v18 =	vld.idx.msk [tilespmem:v50+s14+$0x0], $0xffff  }
0xa0: {  	v16 =	vld.idx.msk [tilespmem:v16+s14+$0x0], $0xffff;
	_ =	sdelay $0x1  }
0xa1: {  	v15 =	vand.u32 $0x7FFFFF, v15  }
0xa2: {  	vm5 =	vge.s32 v15, v17  }
0xa3: {  	vm6 =	vge.s32 v15, v18;
	v17 =	vsel vm5, $0x1, v1  }
0xa4: {  	s23 =	sadd.s32 $0xFFFFFF88, s19;
	vm7 =	vge.s32 v15, v16;
	v18 =	vsel vm6, $0x1, v1;
	v15 =	vadd.s32 v17, v51  }
0xa5: {  	v52 =	vadd.s32 s23, v0;
	v16 =	vsel vm7, $0x1, v1;
	v15 =	vadd.s32 v18, v15  }
0xa6: {  	v15 =	vadd.s32 v16, v15;
	_ =	sdelay $0x3  }
0xa7: {  	v16 =	vld.idx.msk [tilespmem:v52+s12+$0x0], $0xffff  }
0xa8: {  	v15 =	vld.idx.msk [tilespmem:v15+s10+$0x0], $0xffff  }
0xa9: {  	s24 =	sadd.s32 $0xFFFFFF88, s20  }
0xaa: {  	v53 =	vadd.s32 s24, v0;
	_ =	sdelay $0x2  }
0xab: {  	v15 =	vadd.f32 v16, v15;
	_ =	sdelay $0x1  }
0xac: {  	[tilespmem:v53+s16+$0x0] =	vst.idx.msk $0xffff, v15  }
0xad: {  	v15 =	vld.idx.msk [tilespmem:v6+s2+$0x0], $0xffff;
	_ =	sdelay $0x4  }
0xae: {  	v15 =	vsub.s32 v14, v15  }
0xaf: {  	v54 =	vsub.s32 $0x0, v15  }
0xb0: {  	v15 =	vmin.u32 v15, v54  }
0xb1: {  	vm8 =	vgt.s32 v15, $0x1  }
0xb2: {  	v15 =	vnsel vm8, $0x1, v15  }
0xb3: {  	v15 =	vcvt.s32.f32 v15;
	_ =	sdelay $0x1  }
0xb4: {  	v55 =	vshrl.u32 v15, $0x17  }
0xb5: {  	v56 =	vadd.s32 $0xFFFFFF81, v55;
	_ =	sdelay $0x1  }
0xb6: {  	v57 =	vadd.s32 $0xFFFFFFA1, v55  }
0xb7: {  	v16 =	vadd.s32 $0xFFFFFFC1, v55;
	_ =	sdelay $0x1  }
0xb8: {  	v58 =	vld.idx.msk [tilespmem:v56+s13+$0x0], $0xffff  }
0xb9: {  	v17 =	vld.idx.msk [tilespmem:v56+s14+$0x0], $0xffff  }
0xba: {  	v18 =	vld.idx.msk [tilespmem:v57+s14+$0x0], $0xffff  }
0xbb: {  	v16 =	vld.idx.msk [tilespmem:v16+s14+$0x0], $0xffff;
	_ =	sdelay $0x1  }
0xbc: {  	v15 =	vand.u32 $0x7FFFFF, v15  }
0xbd: {  	vm9 =	vge.s32 v15, v17  }
0xbe: {  	vm10 =	vge.s32 v15, v18;
	v17 =	vsel vm9, $0x1, v1  }
0xbf: {  	s25 =	sadd.s32 $0xFFFFFF98, s19;
	vm11 =	vge.s32 v15, v16;
	v18 =	vsel vm10, $0x1, v1;
	v15 =	vadd.s32 v17, v58  }
0xc0: {  	v59 =	vadd.s32 s25, v0;
	v16 =	vsel vm11, $0x1, v1;
	v15 =	vadd.s32 v18, v15  }
0xc1: {  	v15 =	vadd.s32 v16, v15;
	_ =	sdelay $0x3  }
0xc2: {  	v16 =	vld.idx.msk [tilespmem:v59+s12+$0x0], $0xffff  }
0xc3: {  	v15 =	vld.idx.msk [tilespmem:v15+s10+$0x0], $0xffff  }
0xc4: {  	s26 =	sadd.s32 $0xFFFFFF98, s20  }
0xc5: {  	v60 =	vadd.s32 s26, v0;
	_ =	sdelay $0x2  }
0xc6: {  	v15 =	vadd.f32 v16, v15;
	_ =	sdelay $0x1  }
0xc7: {  	[tilespmem:v60+s16+$0x0] =	vst.idx.msk $0xffff, v15  }
0xc8: {  	v15 =	vld.idx.msk [tilespmem:v7+s2+$0x0], $0xffff;
	_ =	sdelay $0x4  }
0xc9: {  	v15 =	vsub.s32 v14, v15  }
0xca: {  	v61 =	vsub.s32 $0x0, v15  }
0xcb: {  	v15 =	vmin.u32 v15, v61  }
0xcc: {  	vm12 =	vgt.s32 v15, $0x1  }
0xcd: {  	v15 =	vnsel vm12, $0x1, v15  }
0xce: {  	v15 =	vcvt.s32.f32 v15;
	_ =	sdelay $0x1  }
0xcf: {  	v62 =	vshrl.u32 v15, $0x17  }
0xd0: {  	v63 =	vadd.s32 $0xFFFFFF81, v62;
	_ =	sdelay $0x1  }
0xd1: {  	v21 =	vadd.s32 $0xFFFFFFA1, v62  }
0xd2: {  	v16 =	vadd.s32 $0xFFFFFFC1, v62;
	_ =	sdelay $0x1  }
0xd3: {  	v22 =	vld.idx.msk [tilespmem:v63+s13+$0x0], $0xffff  }
0xd4: {  	v17 =	vld.idx.msk [tilespmem:v63+s14+$0x0], $0xffff  }
0xd5: {  	v18 =	vld.idx.msk [tilespmem:v21+s14+$0x0], $0xffff  }
0xd6: {  	v16 =	vld.idx.msk [tilespmem:v16+s14+$0x0], $0xffff;
	_ =	sdelay $0x1  }
0xd7: {  	v15 =	vand.u32 $0x7FFFFF, v15  }
0xd8: {  	vm13 =	vge.s32 v15, v17  }
0xd9: {  	vm14 =	vge.s32 v15, v18;
	v17 =	vsel vm13, $0x1, v1  }
0xda: {  	s28 =	sadd.s32 $0xFFFFFFA8, s19;
	vm15 =	vge.s32 v15, v16;
	v18 =	vsel vm14, $0x1, v1;
	v15 =	vadd.s32 v17, v22  }
0xdb: {  	v23 =	vadd.s32 s28, v0;
	v16 =	vsel vm15, $0x1, v1;
	v15 =	vadd.s32 v18, v15  }
0xdc: {  	v15 =	vadd.s32 v16, v15;
	_ =	sdelay $0x3  }
0xdd: {  	v16 =	vld.idx.msk [tilespmem:v23+s12+$0x0], $0xffff  }
0xde: {  	v15 =	vld.idx.msk [tilespmem:v15+s10+$0x0], $0xffff  }
0xdf: {  	s29 =	sadd.s32 $0xFFFFFFA8, s20  }
0xe0: {  	v24 =	vadd.s32 s29, v0;
	_ =	sdelay $0x2  }
0xe1: {  	v15 =	vadd.f32 v16, v15;
	_ =	sdelay $0x1  }
0xe2: {  	[tilespmem:v24+s16+$0x0] =	vst.idx.msk $0xffff, v15  }
0xe3: {  	v15 =	vld.idx.msk [tilespmem:v8+s2+$0x0], $0xffff;
	_ =	sdelay $0x4  }
0xe4: {  	v15 =	vsub.s32 v14, v15  }
0xe5: {  	v25 =	vsub.s32 $0x0, v15  }
0xe6: {  	v15 =	vmin.u32 v15, v25  }
0xe7: {  	vm4 =	vgt.s32 v15, $0x1  }
0xe8: {  	v15 =	vnsel vm4, $0x1, v15  }
0xe9: {  	v15 =	vcvt.s32.f32 v15;
	_ =	sdelay $0x1  }
0xea: {  	v26 =	vshrl.u32 v15, $0x17  }
0xeb: {  	v27 =	vadd.s32 $0xFFFFFF81, v26;
	_ =	sdelay $0x1  }
0xec: {  	v28 =	vadd.s32 $0xFFFFFFA1, v26  }
0xed: {  	v16 =	vadd.s32 $0xFFFFFFC1, v26;
	_ =	sdelay $0x1  }
0xee: {  	v29 =	vld.idx.msk [tilespmem:v27+s13+$0x0], $0xffff  }
0xef: {  	v17 =	vld.idx.msk [tilespmem:v27+s14+$0x0], $0xffff  }
0xf0: {  	v18 =	vld.idx.msk [tilespmem:v28+s14+$0x0], $0xffff  }
0xf1: {  	v16 =	vld.idx.msk [tilespmem:v16+s14+$0x0], $0xffff;
	_ =	sdelay $0x1  }
0xf2: {  	v15 =	vand.u32 $0x7FFFFF, v15  }
0xf3: {  	vm5 =	vge.s32 v15, v17  }
0xf4: {  	vm6 =	vge.s32 v15, v18;
	v17 =	vsel vm5, $0x1, v1  }
0xf5: {  	s30 =	sadd.s32 $0xFFFFFFB8, s19;
	vm7 =	vge.s32 v15, v16;
	v18 =	vsel vm6, $0x1, v1;
	v15 =	vadd.s32 v17, v29  }
0xf6: {  	v30 =	vadd.s32 s30, v0;
	v16 =	vsel vm7, $0x1, v1;
	v15 =	vadd.s32 v18, v15  }
0xf7: {  	v15 =	vadd.s32 v16, v15;
	_ =	sdelay $0x3  }
0xf8: {  	v16 =	vld.idx.msk [tilespmem:v30+s12+$0x0], $0xffff  }
0xf9: {  	v15 =	vld.idx.msk [tilespmem:v15+s10+$0x0], $0xffff  }
0xfa: {  	s31 =	sadd.s32 $0xFFFFFFB8, s20  }
0xfb: {  	v31 =	vadd.s32 s31, v0;
	_ =	sdelay $0x2  }
0xfc: {  	v15 =	vadd.f32 v16, v15;
	_ =	sdelay $0x1  }
0xfd: {  	[tilespmem:v31+s16+$0x0] =	vst.idx.msk $0xffff, v15  }
0xfe: {  	v15 =	vld.idx.msk [tilespmem:v9+s2+$0x0], $0xffff;
	_ =	sdelay $0x4  }
0xff: {  	v15 =	vsub.s32 v14, v15  }
0x100: {  	v32 =	vsub.s32 $0x0, v15  }
0x101: {  	v15 =	vmin.u32 v15, v32  }
0x102: {  	vm8 =	vgt.s32 v15, $0x1  }
0x103: {  	v15 =	vnsel vm8, $0x1, v15  }
0x104: {  	v15 =	vcvt.s32.f32 v15;
	_ =	sdelay $0x1  }
0x105: {  	v33 =	vshrl.u32 v15, $0x17  }
0x106: {  	v34 =	vadd.s32 $0xFFFFFF81, v33;
	_ =	sdelay $0x1  }
0x107: {  	v35 =	vadd.s32 $0xFFFFFFA1, v33  }
0x108: {  	v16 =	vadd.s32 $0xFFFFFFC1, v33;
	_ =	sdelay $0x1  }
0x109: {  	v36 =	vld.idx.msk [tilespmem:v34+s13+$0x0], $0xffff  }
0x10a: {  	v17 =	vld.idx.msk [tilespmem:v34+s14+$0x0], $0xffff  }
0x10b: {  	v18 =	vld.idx.msk [tilespmem:v35+s14+$0x0], $0xffff  }
0x10c: {  	v16 =	vld.idx.msk [tilespmem:v16+s14+$0x0], $0xffff;
	_ =	sdelay $0x1  }
0x10d: {  	v15 =	vand.u32 $0x7FFFFF, v15  }
0x10e: {  	vm9 =	vge.s32 v15, v17  }
0x10f: {  	vm10 =	vge.s32 v15, v18;
	v17 =	vsel vm9, $0x1, v1  }
0x110: {  	s23 =	sadd.s32 $0xFFFFFFC8, s19;
	vm11 =	vge.s32 v15, v16;
	v18 =	vsel vm10, $0x1, v1;
	v15 =	vadd.s32 v17, v36  }
0x111: {  	v37 =	vadd.s32 s23, v0;
	v16 =	vsel vm11, $0x1, v1;
	v15 =	vadd.s32 v18, v15  }
0x112: {  	v15 =	vadd.s32 v16, v15;
	_ =	sdelay $0x3  }
0x113: {  	v16 =	vld.idx.msk [tilespmem:v37+s12+$0x0], $0xffff  }
0x114: {  	v15 =	vld.idx.msk [tilespmem:v15+s10+$0x0], $0xffff  }
0x115: {  	s24 =	sadd.s32 $0xFFFFFFC8, s20  }
0x116: {  	v38 =	vadd.s32 s24, v0;
	_ =	sdelay $0x2  }
0x117: {  	v15 =	vadd.f32 v16, v15;
	_ =	sdelay $0x1  }
0x118: {  	[tilespmem:v38+s16+$0x0] =	vst.idx.msk $0xffff, v15  }
0x119: {  	v15 =	vld.idx.msk [tilespmem:v10+s2+$0x0], $0xffff;
	_ =	sdelay $0x4  }
0x11a: {  	v15 =	vsub.s32 v14, v15  }
0x11b: {  	v39 =	vsub.s32 $0x0, v15  }
0x11c: {  	v15 =	vmin.u32 v15, v39  }
0x11d: {  	vm12 =	vgt.s32 v15, $0x1  }
0x11e: {  	v15 =	vnsel vm12, $0x1, v15  }
0x11f: {  	v15 =	vcvt.s32.f32 v15;
	_ =	sdelay $0x1  }
0x120: {  	v40 =	vshrl.u32 v15, $0x17  }
0x121: {  	v41 =	vadd.s32 $0xFFFFFF81, v40;
	_ =	sdelay $0x1  }
0x122: {  	v42 =	vadd.s32 $0xFFFFFFA1, v40  }
0x123: {  	v16 =	vadd.s32 $0xFFFFFFC1, v40;
	_ =	sdelay $0x1  }
0x124: {  	v43 =	vld.idx.msk [tilespmem:v41+s13+$0x0], $0xffff  }
0x125: {  	v17 =	vld.idx.msk [tilespmem:v41+s14+$0x0], $0xffff  }
0x126: {  	v18 =	vld.idx.msk [tilespmem:v42+s14+$0x0], $0xffff  }
0x127: {  	v16 =	vld.idx.msk [tilespmem:v16+s14+$0x0], $0xffff;
	_ =	sdelay $0x1  }
0x128: {  	v15 =	vand.u32 $0x7FFFFF, v15  }
0x129: {  	vm13 =	vge.s32 v15, v17  }
0x12a: {  	vm14 =	vge.s32 v15, v18;
	v17 =	vsel vm13, $0x1, v1  }
0x12b: {  	s25 =	sadd.s32 $0xFFFFFFD8, s19;
	vm15 =	vge.s32 v15, v16;
	v18 =	vsel vm14, $0x1, v1;
	v15 =	vadd.s32 v17, v43  }
0x12c: {  	v44 =	vadd.s32 s25, v0;
	v16 =	vsel vm15, $0x1, v1;
	v15 =	vadd.s32 v18, v15  }
0x12d: {  	v15 =	vadd.s32 v16, v15;
	_ =	sdelay $0x3  }
0x12e: {  	v16 =	vld.idx.msk [tilespmem:v44+s12+$0x0], $0xffff  }
0x12f: {  	v15 =	vld.idx.msk [tilespmem:v15+s10+$0x0], $0xffff  }
0x130: {  	s26 =	sadd.s32 $0xFFFFFFD8, s20  }
0x131: {  	v45 =	vadd.s32 s26, v0;
	_ =	sdelay $0x2  }
0x132: {  	v15 =	vadd.f32 v16, v15;
	_ =	sdelay $0x1  }
0x133: {  	[tilespmem:v45+s16+$0x0] =	vst.idx.msk $0xffff, v15  }
0x134: {  	v15 =	vld.idx.msk [tilespmem:v11+s2+$0x0], $0xffff;
	_ =	sdelay $0x4  }
0x135: {  	v15 =	vsub.s32 v14, v15  }
0x136: {  	v46 =	vsub.s32 $0x0, v15  }
0x137: {  	v15 =	vmin.u32 v15, v46  }
0x138: {  	vm4 =	vgt.s32 v15, $0x1  }
0x139: {  	v15 =	vnsel vm4, $0x1, v15  }
0x13a: {  	v15 =	vcvt.s32.f32 v15;
	_ =	sdelay $0x1  }
0x13b: {  	v47 =	vshrl.u32 v15, $0x17  }
0x13c: {  	v48 =	vadd.s32 $0xFFFFFF81, v47;
	_ =	sdelay $0x1  }
0x13d: {  	v49 =	vadd.s32 $0xFFFFFFA1, v47  }
0x13e: {  	v16 =	vadd.s32 $0xFFFFFFC1, v47;
	_ =	sdelay $0x1  }
0x13f: {  	v50 =	vld.idx.msk [tilespmem:v48+s13+$0x0], $0xffff  }
0x140: {  	v17 =	vld.idx.msk [tilespmem:v48+s14+$0x0], $0xffff  }
0x141: {  	v18 =	vld.idx.msk [tilespmem:v49+s14+$0x0], $0xffff  }
0x142: {  	v16 =	vld.idx.msk [tilespmem:v16+s14+$0x0], $0xffff;
	_ =	sdelay $0x1  }
0x143: {  	v15 =	vand.u32 $0x7FFFFF, v15  }
0x144: {  	vm5 =	vge.s32 v15, v17  }
0x145: {  	vm6 =	vge.s32 v15, v18;
	v17 =	vsel vm5, $0x1, v1  }
0x146: {  	s28 =	sadd.s32 $0xFFFFFFE8, s19;
	vm7 =	vge.s32 v15, v16;
	v18 =	vsel vm6, $0x1, v1;
	v15 =	vadd.s32 v17, v50  }
0x147: {  	v51 =	vadd.s32 s28, v0;
	v16 =	vsel vm7, $0x1, v1;
	v15 =	vadd.s32 v18, v15  }
0x148: {  	v15 =	vadd.s32 v16, v15;
	_ =	sdelay $0x3  }
0x149: {  	v16 =	vld.idx.msk [tilespmem:v51+s12+$0x0], $0xffff  }
0x14a: {  	v15 =	vld.idx.msk [tilespmem:v15+s10+$0x0], $0xffff  }
0x14b: {  	s29 =	sadd.s32 $0xFFFFFFE8, s20  }
0x14c: {  	v52 =	vadd.s32 s29, v0;
	_ =	sdelay $0x2  }
0x14d: {  	v15 =	vadd.f32 v16, v15;
	_ =	sdelay $0x1  }
0x14e: {  	[tilespmem:v52+s16+$0x0] =	vst.idx.msk $0xffff, v15  }
0x14f: {  	v15 =	vld.idx.msk [tilespmem:v12+s2+$0x0], $0xffff;
	_ =	sdelay $0x4  }
0x150: {  	v15 =	vsub.s32 v14, v15  }
0x151: {  	v53 =	vsub.s32 $0x0, v15  }
0x152: {  	v15 =	vmin.u32 v15, v53  }
0x153: {  	vm8 =	vgt.s32 v15, $0x1  }
0x154: {  	v15 =	vnsel vm8, $0x1, v15  }
0x155: {  	v15 =	vcvt.s32.f32 v15;
	_ =	sdelay $0x1  }
0x156: {  	v54 =	vshrl.u32 v15, $0x17  }
0x157: {  	v55 =	vadd.s32 $0xFFFFFF81, v54;
	_ =	sdelay $0x1  }
0x158: {  	v56 =	vadd.s32 $0xFFFFFFA1, v54  }
0x159: {  	v16 =	vadd.s32 $0xFFFFFFC1, v54;
	_ =	sdelay $0x1  }
0x15a: {  	v57 =	vld.idx.msk [tilespmem:v55+s13+$0x0], $0xffff  }
0x15b: {  	v17 =	vld.idx.msk [tilespmem:v55+s14+$0x0], $0xffff  }
0x15c: {  	v18 =	vld.idx.msk [tilespmem:v56+s14+$0x0], $0xffff  }
0x15d: {  	v16 =	vld.idx.msk [tilespmem:v16+s14+$0x0], $0xffff;
	_ =	sdelay $0x1  }
0x15e: {  	v15 =	vand.u32 $0x7FFFFF, v15  }
0x15f: {  	vm9 =	vge.s32 v15, v17  }
0x160: {  	vm10 =	vge.s32 v15, v18;
	v17 =	vsel vm9, $0x1, v1  }
0x161: {  	s30 =	sadd.s32 $0xFFFFFFF8, s19;
	vm11 =	vge.s32 v15, v16;
	v18 =	vsel vm10, $0x1, v1;
	v15 =	vadd.s32 v17, v57  }
0x162: {  	v58 =	vadd.s32 s30, v0;
	v16 =	vsel vm11, $0x1, v1;
	v15 =	vadd.s32 v18, v15  }
0x163: {  	v15 =	vadd.s32 v16, v15;
	_ =	sdelay $0x3  }
0x164: {  	v16 =	vld.idx.msk [tilespmem:v58+s12+$0x0], $0xffff  }
0x165: {  	v15 =	vld.idx.msk [tilespmem:v15+s10+$0x0], $0xffff  }
0x166: {  	s31 =	sadd.s32 $0xFFFFFFF8, s20  }
0x167: {  	v59 =	vadd.s32 s31, v0;
	_ =	sdelay $0x2  }
0x168: {  	v15 =	vadd.f32 v16, v15;
	_ =	sdelay $0x1  }
0x169: {  	[tilespmem:v59+s16+$0x0] =	vst.idx.msk $0xffff, v15  }
0x16a: {  	v15 =	vld.idx.msk [tilespmem:v13+s2+$0x0], $0xffff;
	_ =	sdelay $0x4  }
0x16b: {  	v14 =	vsub.s32 v14, v15  }
0x16c: {  	v15 =	vsub.s32 $0x0, v14  }
0x16d: {  	v14 =	vmin.u32 v14, v15  }
0x16e: {  	vm12 =	vgt.s32 v14, $0x1  }
0x16f: {  	v14 =	vnsel vm12, $0x1, v14  }
0x170: {  	v14 =	vcvt.s32.f32 v14;
	_ =	sdelay $0x1  }
0x171: {  	v15 =	vshrl.u32 v14, $0x17  }
0x172: {  	v60 =	vadd.s32 $0xFFFFFF81, v15;
	_ =	sdelay $0x1  }
0x173: {  	v61 =	vadd.s32 $0xFFFFFFA1, v15  }
0x174: {  	v15 =	vadd.s32 $0xFFFFFFC1, v15;
	_ =	sdelay $0x1  }
0x175: {  	v62 =	vld.idx.msk [tilespmem:v60+s13+$0x0], $0xffff  }
0x176: {  	v16 =	vld.idx.msk [tilespmem:v60+s14+$0x0], $0xffff  }
0x177: {  	v17 =	vld.idx.msk [tilespmem:v61+s14+$0x0], $0xffff  }
0x178: {  	v15 =	vld.idx.msk [tilespmem:v15+s14+$0x0], $0xffff;
	_ =	sdelay $0x1  }
0x179: {  	v14 =	vand.u32 $0x7FFFFF, v14  }
0x17a: {  	vm13 =	vge.s32 v14, v16  }
0x17b: {  	vm14 =	vge.s32 v14, v17;
	v16 =	vsel vm13, $0x1, v1  }
0x17c: {  	vm15 =	vge.s32 v14, v15;
	v17 =	vsel vm14, $0x1, v1;
	v14 =	vadd.s32 v16, v62  }
0x17d: {  	v15 =	vsel vm15, $0x1, v1;
	v14 =	vadd.s32 v17, v14  }
0x17e: {  	v14 =	vadd.s32 v15, v14  }
0x17f: {  	v15 =	vadd.s32 s19, v0;
	_ =	sdelay $0x3  }
0x180: {  	v14 =	vld.idx.msk [tilespmem:v14+s10+$0x0], $0xffff  }
0x181: {  	v15 =	vld.idx.msk [tilespmem:v15+s12+$0x0], $0xffff;
	_ =	sdelay $0x1  }
0x182: {  	p0 =	sne.s32 s19, $0xB8;
	v63 =	vadd.s32 s20, v0  }
.Ltmp0:
0x183: {  	_ = 	snop;
	(pc) =	sbr.rel @p0 .LBB2_2-.Ltmp0, $3  }
0x184: {  	_ = 	snop  }
0x185: {  	v14 =	vadd.f32 v15, v14;
	_ =	sdelay $0x1  }
0x186: {  	s21 =	sadd.s32 $0x1, s21;
	s20 =	sadd.s32 $0xC8, s20;
	s19 =	sadd.s32 $0xFFFFFFFF, s19;
	[tilespmem:v63+s16+$0x0] =	vst.idx.msk $0xffff, v14  }
0x187: {  	s18 =	sadd.s32 $0x1, s18  }
0x188: {  	p0 =	sne.s32 s18, s9  }
.Ltmp1:
0x189: {  	_ = 	snop;
	(pc) =	sbr.rel @p0 .LBB2_1-.Ltmp1, $4  }
0x18a: {  	[hbm4b:s8+s15] =	stream.strided.scatter [tilespmem:s16], [sflag:$0x1], $0x9C80, s13, s15, $0x38;
	[tilespmem:$0xA180] =	vst v63  }
0x18b: {  	_ =	swait.ge [sflag:s17], $0x9C80  }
0x18c: {  	[sflag:s17] =	ssyncset.done $0x0  }
0x18d: {  	[sflag:s17] =	ssyncadd.s32 $0xFFFF6380  }
0x18e: {  	_ =	sfence.sel $0x180000  }
0x18f: {  	[bflag:$0x0] =	sbarrier.arrive $0xFFFF  }
0x190: {  	p0 =	sne.s32 s0, $0x0;
	_ =	strace $0x90000047  }
0x191: {  	s0 =	sadd.s32 @!p0 $0x100000, s1;
	[bflag:$0x2] =	sbarrier.arrive $0xFFFF  }
0x192: {  	[sflag:s0] =	ssyncadd.tile.s32 @!p0 $0x1;
	_ =	shalt  }
.Lfunc_end2:
_tile_overlayer_lowered:
.L_overlay_start_2:
0x193: {  	(tag) =	ssettag $0x2  }
0x194: {  	s0 =	rddreg [dreg:$0x0];
	s2 =	stileid.u32  }
0x195: {  	s1 =	rddreg [dreg:$0x1];
	p0 =	sne.s32 s2, $0x0  }
0x196: {  	s3 =	rddreg [dreg:$0x2];
	[bflag:$0x3] =	sbarrier.arrive $0xFFFF;
	s2 =	simm.s32 @!p0 $0x1C02  }
0x197: {  	[timem:s3], [sflag:s2] =	dma.local @!p0 [hbm:s0], s1  }
0x198: {  	s0 =	simm.s32 @!p0 $0x2  }
0x199: {  	_ =	swait.ge @!p0 [sflag:s0], s1  }
0x19a: {  	s1 =	ssub.s32 @!p0 $0x0, s1;
	[sflag:s0] =	ssyncset.done @!p0 $0x0  }
0x19b: {  	[sflag:s0] =	ssyncadd.s32 @!p0 s1  }
0x19c: {  	[bflag:$0x3] =	sbarrier.arrive $0xFFFF  }
0x19d: {  	_ =	shalt  }

// kernel: sparse-core-data-format-call.cloned.1.call-start
scs
called_computation_lowered:
.L_overlay_start_0:
0x0: {  	s2 =	sld [smem:$0x3FD9]  }
0x1: {  	s3 =	sld [smem:$0x3FFE];
	_ =	sdelay $0x1  }
0x2: {  	s1 =	srdreg.scid  }
0x3: {  	s0 =	sand.u32 $0x1, s1  }
0x4: {  	s18 =	sshll.u32 s0, $0xA;
	s2 =	sadd.s32 s3, s2  }
0x5: {  	s2 =	sadd.s32 s2, s18  }
0x6: {  	[smem:$0x3FC5] =	sst s2  }
0x7: {  	_ = 	snop  }
0x8: {  	s2 =	sld [smem:$0x3FD0];
	(tm) =	ssettm $0x1  }
0x9: {  	s19 =	sld [smem:$0x3FFB];
	_ =	sdelay $0x3  }
0xa: {  	_ =	strace s19  }
0xb: {  	s3 =	sld [smem:$0x3FFC];
	_ =	sdelay $0x3  }
0xc: {  	_ =	strace s3  }
0xd: {  	s3 =	sld [smem:$0x3FFD];
	_ =	sdelay $0x3  }
0xe: {  	_ =	strace s3  }
0xf: {  	_ =	strace $0x8FFFFFFF  }
0x10: {  	s20 =	sld [smem:$0x3FDB];
	_ =	sdelay $0x1  }
0x11: {  	s4 =	simm.s32 $_scs_section_size  }
0x12: {  	s5 =	simm.s32 $_size__tile_overlayer_lowered;
	s6 =	simm.s32 $_tile_overlayer_lowered  }
0x13: {  	s23 =	simm.s32 $0x1BFF;
	s22 =	sshll.u32 s6, $0x1;
	s3 =	sadd.s32 s4, s20  }
0x14: {  	s7 =	simm.s32 $0x0;
	s21 =	sshll.u32 s5, $0x1;
	s5 =	sadd.s32 s22, s3  }
0x15: {  	[timem:s7], [sflag:s23] =	dma.local [hbm:s5], s21  }
0x16: {  	_ =	swait.ge [sflag:s23], s21  }
0x17: {  	s4 =	ssub.s32 $0x0, s21;
	[sflag:s23] =	ssyncset.done $0x0  }
0x18: {  	[sflag:s23] =	ssyncadd.s32 s4;
	_ =	sdelay $0x1  }
0x19: {  	s24 =	simm.s32 $0x1B8B  }
0x1a: {  	_ =	swait.ge [sflag:s24], $0x1  }
0x1b: {  	[sflag:s24] =	ssyncset.done $0x0  }
0x1c: {  	s26 =	simm.s32 $0x1B8E;
	s25 =	sld [smem:$0x3FFE];
	[sflag:s24] =	ssyncadd.s32 $0xFFFFFFFF  }
0x1d: {  	s27 =	simm.s32 $execute0_lowered;
	[smem:$0x3FD2] =	sst s26  }
0x1e: {  	s5 =	sshll.u32 s27, $0x1;
	_ =	strace $0x80000049;
	[dreg:$0x1] =	wrdreg $0xFFFFFFFF  }
0x1f: {  	s28 =	simm.s32 $_size_execute0_lowered;
	s3 =	sadd.s32 s3, s5;
	[dreg:$0x0] =	wrdreg $0x0  }
0x20: {  	s5 =	sshll.u32 s28, $0x1;
	[dreg:$0x2] =	wrdreg s3  }
0x21: {  	[dreg:$0x3] =	wrdreg s5  }
0x22: {  	[dreg:$0x4] =	wrdreg $0xC0  }
0x23: {  	_ =	task [dreg:s7], $0x5FFFF  }
0x24: {  	[dreg:$0x1] =	wrdreg $0xFFFFFFFF  }
0x25: {  	[dreg:$0x0] =	wrdreg $0x60  }
0x26: {  	[dreg:$0x2] =	wrdreg s25  }
0x27: {  	[dreg:$0x3] =	wrdreg s2  }
0x28: {  	[dreg:$0x4] =	wrdreg $0x9  }
0x29: {  	_ =	task.clear_ibuf [dreg:s7], $0x5FFFF;
	_ =	strace $0x90000049  }
0x2a: {  	s29 =	simm.s32 $0x9;
	_ =	strace $0x8000004B  }
0x2b: {  	_ =	swait.ge [sflag:s29], $0x1  }
0x2c: {  	[sflag:s29] =	ssyncadd.s32 $0xFFFFFFFF  }
0x2d: {  	_ =	strace $0x9000004B  }
0x2e: {  	_ =	sfence  }
0x2f: {  	s30 =	sld [smem:$0x0];
	_ =	sdelay $0x2  }
0x30: {  	s31 =	sshll.u32 s1, $0xD;
	s1 =	sshrl.u32 s1, $0x2  }
0x31: {  	s3 =	sand.u32 $0x4000, s31;
	s1 =	sadd.s32 s1, s30  }
0x32: {  	s0 =	sor.u32 s3, s0;
	s1 =	sshll.u32 s1, $0x11  }
0x33: {  	s0 =	sor.u32 s1, s0  }
0x34: {  	s0 =	sadd.s32 $0x8F2B, s0  }
0x35: {  	[sflag:s0] =	ssyncadd.remote.s32 $0x1  }
0x36: {  	_ =	sfence.sel $0xFFFF  }
0x37: {  	[dreg:$0x0] =	wrdreg $0xFFFFFFFF;
	(pc) =	sbr.abs _section_cstart, $3  }
0x38: {  	[dreg:$0x1] =	wrdreg $0xFFFFFFFF  }
0x39: {  	_ =	task.clear_ibuf [dreg:s7], $0x2FFFF;
	_ =	strace $0x9FFFFFFF  }
0x3a: {  	(tm) =	ssettm $0x7FFFFFFF  }
0x3b: {  	_ =	shalt  }
tec
execute0_lowered:
.L_overlay_start_1:
0x0: {  	(tag) =	ssettag $0x1  }
0x1: {  	s4 =	rddreg [dreg:$0x0]  }
0x2: {  	s0 =	stileid.u32;
	s2 =	rddreg [dreg:$0x1]  }
0x3: {  	s1 =	rddreg [dreg:$0x2];
	_ =	strace $0x8000004A;
	s10 =	srdreg.scid  }
0x4: {  	s31 =	simm.s32 $0x2;
	s18 =	simm.s32 $0x0;
	s11 =	simm.s32 $0x2000  }
0x5: {  	s19 =	simm.s32 $0x0;
	s20 =	simm.s32 $0x0;
	s12 =	simm.s32 $0x0  }
0x6: {  	s13 =	simm.s32 $0x0;
	s14 =	simm.s32 $0x0;
	s3 =	sshll.u32 s0, $0x7  }
0x7: {  	s17 =	simm.s32 $0x0;
	s4 =	sadd.s32 $0x2FE00, s4;
	s3 =	sand.u32 $0x380, s3  }
0x8: {  	s5 =	sshrl.u32 s0, $0x3;
	s30 =	sshll.u32 s10, $0x7;
	s6 =	ssub.s32 $0x400, s3  }
0x9: {  	s8 =	ssub.s32 $0xC8, s5;
	s7 =	sshrl.u32 s6, $0xA;
	s6 =	sand.u32 $0x380, s6  }
0xa: {  	s9 =	sshrl.u32 s8, $0x1;
	p0 =	sne.s32 s6, $0x0;
	s6 =	simm.s32 $0x1  }
.Ltmp0:
0xb: {  	s8 =	sand.u32 $0x1, s8;
	s6 =	simm.s32 @!p0 $0x0;
	(pc) =	sbr.rel .LBB1_1-.Ltmp0, $4  }
0xc: {  	s15 =	smov.u32 s5;
	s8 =	sadd.s32 s8, s9;
	s7 =	sadd.s32 s6, s7  }
0xd: {  	s16 =	smov.u32 s3;
	s6 =	simm.s32 $0x1;
	s7 =	smul.u32 s8, s7  }
0xe: {  	p0 =	por $0x0, $0x0;
	s8 =	sand.u32 $0x80, s30;
	[sflag:s6] =	ssyncpa.u1 $0x0  }
0xf: {  	[sflag:s31] =	ssyncpa.u1 $0x0;
	s9 =	sshll.u32 s8, $0x3;
	s10 =	sadd.s32 $0x1, s7  }
.LBB1_4:
0x10: {  	s25 =	sshra.s32 s25, $0x2;
	s26 =	sshrl.u32 s14, $0x7;
	p1 =	sgt.s32 s14, $0x380  }
0x11: {  	s27 =	sshra.s32 s14, $0x1F;
	s29 =	smov.u32 s13;
	s31 =	sshra.s32 s13, $0x1F  }
0x12: {  	s24 =	sadd.s32 s25, s24;
	s30 =	sadd.s32 s26, s12;
	s26 =	smov.u32 s14  }
0x13: {  	v5 =	vld [tilespmem:s22+$0xFFFFFFD0];
	[tilespmem:s23+$0x2040 ss:$0x81] =	vst.msk $0xffff, v4;
	s27 =	sand.u32 s27, s14;
	s25 =	sand.u32 $0x3FFFFF, s30;
	s26 =	simm.s32 @!p1 $0x380  }
0x14: {  	v58 =	vld [tilespmem:s22+$0xFFFFFFE0];
	[tilespmem:s23+$0x2850 ss:$0x81] =	vst.msk $0xffff, v3;
	p1 =	sgt.s32 s13, $0xC7;
	s28 =	smulhi.u32 $0x147AE15, s25;
	s26 =	ssub.s32 s26, s27  }
0x15: {  	v59 =	vld [tilespmem:s22+$0xFFFFFFF0];
	[tilespmem:s23+$0x3060 ss:$0x81] =	vst.msk $0xffff, v2;
	s29 =	simm.s32 @!p1 $0xC7;
	s27 =	sand.u32 s31, s13;
	p1 =	sgt.s32 s12, $0x48  }
0x16: {  	v60 =	vld [tilespmem:s22+$0x0];
	[tilespmem:s23+$0x0 ss:$0x81] =	vst.msk $0xffff, v1;
	s23 =	ssub.s32 s29, s27;
	s27 =	smov.u32 s12;
	s30 =	sadd.s32 $0xFFFFFC80, s26  }
0x17: {  	v61 =	vld [tilespmem:s22+$0x10];
	[tilespmem:s24+$0x3870 ss:$0x81] =	vst.msk $0xffff, v0;
	s26 =	ssub.s32 $0x400, s26;
	s27 =	simm.s32 @!p1 $0x48;
	p1 =	sgt.s32 s30, $0x7F  }
0x18: {  	v62 =	vld [tilespmem:s22+$0x20];
	s28 =	smul.u32 $0xC8, s28;
	[tilespmem:s24+$0x810 ss:$0x81] =	vst.msk $0xffff, v5;
	s27 =	ssub.s32 $0xC8, s27;
	s26 =	simm.s32 @p1 $0x0  }
0x19: {  	v63 =	vld [tilespmem:s22+$0xFFFFFFC0];
	s29 =	sand.u32 $0x7, s14;
	s31 =	sadd.s32 $0xFFFFFF39, s23;
	[tilespmem:s24+$0x1020 ss:$0x81] =	vst.msk $0xffff, v58;
	s26 =	smul.u32 s27, s26  }
0x1a: {  	s22 =	ssub.s32 $0xC8, s23;
	[tilespmem:s24+$0x1830 ss:$0x81] =	vst.msk $0xffff, v59;
	p1 =	sgt.s32 s31, $0x0;
	s27 =	smul.u32 $0x6400, s13  }
0x1b: {  	[tilespmem:s24+$0x2040 ss:$0x81] =	vst.msk $0xffff, v60;
	s22 =	simm.s32 @p1 $0x0;
	s25 =	ssub.s32 s25, s28;
	s28 =	sshrl.u32 s14, $0x3  }
0x1c: {  	[tilespmem:s24+$0x2850 ss:$0x81] =	vst.msk $0xffff, v61;
	s23 =	sand.u32 $0xF, s28;
	s22 =	smul.u32 s22, s26;
	s26 =	sadd.s32 s2, s27  }
0x1d: {  	[tilespmem:s24+$0x3060 ss:$0x81] =	vst.msk $0xffff, v62;
	s30 =	sshll.u32 s29, $0x12;
	s25 =	sshll.u32 s25, $0x7;
	s23 =	sadd.s32 s23, s26  }
0x1e: {  	[tilespmem:s24+$0x0 ss:$0x81] =	vst.msk $0xffff, v63;
	s31 =	sor.u32 $0x400, s30;
	s22 =	sand.u32 $0x3FFFFFFF, s22;
	s23 =	sadd.s32 s25, s23  }
0x1f: {  	[hbm4b:s23+s31] =	stream.strided.scatter [tilespmem:s21], [sflag:$0x2], s22, s11, s31, $0x20;
	[tilespmem:$0x10100] =	vst v63  }
.LBB1_5:
0x20: {  	p1 =	slt.u32 s17, $0x2;
	s21 =	smov.u32 s19  }
0x21: {  	s22 =	smov.u32 s20;
	p2 =	sgt.s32 @!p1 s19, $0xC7;
	p3 =	sgt.s32 @!p1 s20, $0x380  }
0x22: {  	s23 =	sshra.s32 @!p1 s20, $0x1F;
	p2 =	por !p2, p1;
	p3 =	por !p3, p1  }
0x23: {  	s20 =	sand.u32 @!p1 s23, s20;
	s21 =	simm.s32 @p2 $0xC7;
	s22 =	simm.s32 @p3 $0x380  }
0x24: {  	p2 =	sgt.s32 @!p1 s18, $0x48;
	s20 =	ssub.s32 @!p1 s22, s20;
	s22 =	sshra.s32 @!p1 s19, $0x1F  }
0x25: {  	p2 =	por !p2, p1;
	s19 =	sand.u32 @!p1 s22, s19;
	s22 =	sadd.s32 @!p1 $0xFFFFFC80, s20  }
0x26: {  	s18 =	simm.s32 @p2 $0x48;
	s19 =	ssub.s32 @!p1 s21, s19;
	p2 =	sgt.s32 @!p1 s22, $0x7F  }
0x27: {  	s20 =	ssub.s32 @!p1 $0x400, s20;
	s21 =	sadd.s32 @!p1 $0xFFFFFF39, s19;
	p2 =	por !p2, p1  }
0x28: {  	s18 =	ssub.s32 @!p1 $0xC8, s18;
	s20 =	simm.s32 @!p2 $0x0;
	p2 =	sgt.s32 @!p1 s21, $0x0  }
0x29: {  	s19 =	ssub.s32 @!p1 $0xC8, s19;
	p2 =	por !p2, p1;
	s18 =	smul.u32 @!p1 s18, s20  }
0x2a: {  	s23 =	smov.u32 s16;
	s21 =	sadd.s32 $0x2, s15;
	s19 =	simm.s32 @!p2 $0x0  }
0x2b: {  	p2 =	sgt.s32 s21, $0xC7;
	s18 =	smul.u32 @!p1 s19, s18;
	s19 =	sadd.s32 $0x400, s16  }
0x2c: {  	s25 =	sadd.s32 $0x1, s17;
	s23 =	smov.u32 @p2 s19  }
0x2d: {  	p0 =	por !p0, !p0;
	s21 =	smov.u32 @p2 s5;
	p2 =	sgt.s32 s23, $0x3FF  }
0x2e: {  	s22 =	simm.s32 @!p1 $0x2;
	s23 =	smov.u32 @p2 s3;
	p2 =	sne.s32 s17, s10  }
.Ltmp1:
0x2f: {  	s20 =	smov.u32 s14;
	s14 =	smov.u32 s16;
	(pc) =	sbr.rel @!p2 .LBB1_6-.Ltmp1, $4  }
0x30: {  	s19 =	smov.u32 s13;
	s13 =	smov.u32 s15;
	s18 =	sand.u32 @!p1 $0x3FFFFFFF, s18  }
0x31: {  	s15 =	smov.u32 s21;
	_ =	swait.ge @!p1 [sflag:s22], s18;
	s24 =	ssub.s32 @!p1 $0x0, s18  }
0x32: {  	s18 =	smov.u32 s12;
	s12 =	smov.u32 s8;
	[sflag:s22] =	ssyncset.done @!p1 $0x0  }
0x33: {  	s17 =	smov.u32 s25;
	s16 =	smov.u32 s23;
	[sflag:s22] =	ssyncadd.s32 @!p1 s24  }
.LBB1_1:
0x34: {  	p1 =	sge.u32 s17, s7  }
0x35: {  	s21 =	sshll.u32 @!p1 s15, $0x8  }
0x36: {  	s22 =	sshll.u32 @!p1 s15, $0x7;
	s21 =	sand.u32 @!p1 $0xFFFFF800, s21  }
0x37: {  	s22 =	sand.u32 @!p1 $0x300, s22;
	s21 =	sor.u32 @!p1 s9, s21  }
0x38: {  	s21 =	sor.u32 @!p1 s22, s21  }
0x39: {  	s21 =	sshrl.u32 @!p1 s21, $0x8  }
0x3a: {  	s22 =	smulhi.u32 @!p1 $0x147AE15, s21;
	_ =	sdelay $0x1  }
0x3b: {  	s22 =	smul.u32 @!p1 $0xC8, s22  }
0x3c: {  	s31 =	sadd.s32 $0xFFFFFFFF, s17;
	s23 =	smul.u32 @!p1 $0x1900, s16  }
0x3d: {  	s24 =	sxor.u32 @!p1 $0xFFFFFFFF, s17;
	s21 =	ssub.s32 @!p1 s21, s22;
	s22 =	sshll.u32 @!p1 s15, $0x4  }
0x3e: {  	s24 =	sshll.u32 @!p1 s24, $0xE;
	s23 =	sadd.s32 @!p1 s4, s23;
	s22 =	sand.u32 @!p1 $0x10, s22  }
0x3f: {  	s24 =	sand.u32 @!p1 $0x4000, s24;
	s21 =	sshll.u32 @!p1 s21, $0x5;
	s22 =	sadd.s32 @!p1 s22, s23  }
0x40: {  	s23 =	simm.s32 @!p1 $0xC800;
	s21 =	sadd.s32 @!p1 s21, s22;
	s22 =	simm.s32 @!p1 $0x80  }
0x41: {  	[tilespmem:s24], [sflag:$0x1] =	stream.strided.gather @!p1 [hbm4b:s21+s22], $0x4000, s23, s22, $0x38;
	[tilespmem:$0x10100] =	vst v63  }
0x42: {  	p1 =	sge.u32 s31, s7  }
.Ltmp2:
0x43: {  	_ = 	snop;
	(pc) =	sbr.rel @p1 .LBB1_5-.Ltmp2, $1  }
0x44: {  	_ =	sdelay $0x3  }
0x45: {  	s21 =	simm.s32 $0x1  }
0x46: {  	_ =	swait.ge [sflag:s6], $0x4000;
	s21 =	simm.s32 @!p0 $0x0  }
0x47: {  	[sflag:s6] =	ssyncset.done $0x0;
	s22 =	sshll.u32 s21, $0xE  }
0x48: {  	[sflag:s6] =	ssyncadd.s32 $0xFFFFC000;
	s22 =	sor.u32 $0x40, s22  }
0x49: {  	s21 =	smul.u32 $0x10200, s21;
	v0 =	vld [tilespmem:s22+$0x30]  }
0x4a: {  	v1 =	vld [tilespmem:s22+$0xFFFFFFD0]  }
0x4b: {  	s21 =	sshrl.u32 s21, $0x2;
	v5 =	vld [tilespmem:s22+$0xFFFFFFE0]  }
0x4c: {  	v6 =	vld [tilespmem:s22+$0xFFFFFFF0];
	s24 =	sor.u32 $0x8000, s21  }
0x4d: {  	s31 =	sand.u32 $0x1, s17;
	v4 =	vld [tilespmem:s22+$0x0];
	s23 =	sadd.s32 $0x0, s24  }
0x4e: {  	v3 =	vld [tilespmem:s22+$0x10];
	s21 =	smul.u32 $0x10200, s31;
	[tilespmem:s23+$0x3870 ss:$0x81] =	vst.msk $0xffff, v0  }
0x4f: {  	v2 =	vld [tilespmem:s22+$0x20];
	[tilespmem:s23+$0x810 ss:$0x81] =	vst.msk $0xffff, v1  }
0x50: {  	s21 =	sshrl.u32 s21, $0x2;
	v1 =	vld [tilespmem:s22+$0xFFFFFFC0];
	[tilespmem:s23+$0x1020 ss:$0x81] =	vst.msk $0xffff, v5;
	s22 =	sadd.s32 $0x80, s22  }
0x51: {  	s25 =	simm.s32 $0x4;
	s26 =	simm.s32 $0x8;
	s21 =	sor.u32 $0x8000, s21;
	[tilespmem:s23+$0x1830 ss:$0x81] =	vst.msk $0xffff, v6;
	v0 =	vld [tilespmem:s22+$0x30]  }
.LBB1_3:
0x52: {  	p1 =	sne.s32 s26, $0x1FC;
	v5 =	vld [tilespmem:s22+$0xFFFFFFD0];
	[tilespmem:s23+$0x2040 ss:$0x81] =	vst.msk $0xffff, v4  }
0x53: {  	v6 =	vld [tilespmem:s22+$0xFFFFFFE0];
	[tilespmem:s23+$0x2850 ss:$0x81] =	vst.msk $0xffff, v3  }
0x54: {  	s27 =	sshra.s32 s25, $0x2;
	s25 =	smov.u32 s26;
	v7 =	vld [tilespmem:s22+$0xFFFFFFF0];
	[tilespmem:s23+$0x3060 ss:$0x81] =	vst.msk $0xffff, v2  }
.Ltmp3:
0x55: {  	v4 =	vld [tilespmem:s22+$0x0];
	[tilespmem:s23+$0x0 ss:$0x81] =	vst.msk $0xffff, v1;
	s23 =	sadd.s32 s27, s24;
	(pc) =	sbr.rel @p1 .LBB1_3-.Ltmp3, $4  }
0x56: {  	v3 =	vld [tilespmem:s22+$0x10];
	[tilespmem:s23+$0x3870 ss:$0x81] =	vst.msk $0xffff, v0  }
0x57: {  	[tilespmem:s23+$0x810 ss:$0x81] =	vst.msk $0xffff, v5;
	v2 =	vld [tilespmem:s22+$0x20]  }
0x58: {  	v1 =	vld [tilespmem:s22+$0xFFFFFFC0];
	[tilespmem:s23+$0x1020 ss:$0x81] =	vst.msk $0xffff, v6;
	s22 =	sadd.s32 $0x80, s22  }
0x59: {  	s26 =	sadd.s32 $0x4, s26;
	v0 =	vld [tilespmem:s22+$0x30];
	[tilespmem:s23+$0x1830 ss:$0x81] =	vst.msk $0xffff, v7  }
.Ltmp4:
0x5a: {  	_ = 	snop;
	(pc) =	sbr.rel .LBB1_4-.Ltmp4, $1  }
0x5b: {  	_ =	sdelay $0x3  }
.LBB1_6:
0x5c: {  	_ =	sfence.sel $0x180000  }
0x5d: {  	s2 =	simm.s32 $0x1;
	[bflag:$0x0] =	sbarrier.arrive $0xFFFF  }
0x5e: {  	s31 =	simm.s32 $0x2;
	[sflag:s2] =	ssyncpa.u1 $0x1  }
0x5f: {  	[sflag:s31] =	ssyncpa.u1 $0x1  }
0x60: {  	p0 =	sne.s32 s0, $0x0;
	_ =	strace $0x9000004A  }
0x61: {  	s0 =	sadd.s32 @!p0 $0x100000, s1;
	[bflag:$0x2] =	sbarrier.arrive $0xFFFF  }
0x62: {  	[sflag:s0] =	ssyncadd.tile.s32 @!p0 $0x1;
	_ =	shalt  }
.Lfunc_end1:
_tile_overlayer_lowered:
.L_overlay_start_2:
0x63: {  	(tag) =	ssettag $0x2  }
0x64: {  	s0 =	rddreg [dreg:$0x0];
	s2 =	stileid.u32  }
0x65: {  	s1 =	rddreg [dreg:$0x1];
	p0 =	sne.s32 s2, $0x0  }
0x66: {  	s3 =	rddreg [dreg:$0x2];
	[bflag:$0x3] =	sbarrier.arrive $0xFFFF;
	s2 =	simm.s32 @!p0 $0x1C01  }
0x67: {  	[timem:s3], [sflag:s2] =	dma.local @!p0 [hbm:s0], s1  }
0x68: {  	s0 =	simm.s32 @!p0 $0x1  }
0x69: {  	_ =	swait.ge @!p0 [sflag:s0], s1  }
0x6a: {  	s1 =	ssub.s32 @!p0 $0x0, s1;
	[sflag:s0] =	ssyncset.done @!p0 $0x0  }
0x6b: {  	[sflag:s0] =	ssyncadd.s32 @!p0 s1  }
0x6c: {  	[bflag:$0x3] =	sbarrier.arrive $0xFFFF  }
0x6d: {  	_ =	shalt  }

</sc_bundles>
